<compile_context>
chip_gen: v7x
topology: tpu7x:2x2x1
jax: 0.10.2.dev20260603
libtpu: 0.0.44.dev20260713+nightly
codegen_flags: <defaults>
</compile_context>

<pallas_src>
import functools

import jax
import jax.numpy as jnp
from jax import lax
from jax.experimental import pallas as pl
from jax.experimental.pallas import tpu as pltpu
from jax.experimental.pallas import tpu_sc as plsc

N = 10000
NP = 10112
E = 320000
NC = 2
NS = 16
CHE = 8192
NCH = 20
EPH = NCH * CHE
EP = NC * EPH
L = 16


@functools.cache
def _sc_edge_pass(width):
    cpt = width // NS
    mesh = plsc.VectorSubcoreMesh(
        core_axis_name="c", subcore_axis_name="s", num_cores=NC, num_subcores=NS
    )

    @functools.partial(
        pl.kernel,
        out_type=jax.ShapeDtypeStruct((NC, width, NP), jnp.float32),
        mesh=mesh,
        scratch_types=[
            pltpu.VMEM((cpt, NP), jnp.float32),
            pltpu.VMEM((cpt, NP), jnp.float32),
            pltpu.VMEM((CHE,), jnp.int32),
            pltpu.VMEM((CHE,), jnp.int32),
            pltpu.VMEM((CHE,), jnp.int32),
            pltpu.VMEM((CHE,), jnp.int32),
            [pltpu.SemaphoreType.DMA] * 2,
            [pltpu.SemaphoreType.DMA] * 2,
        ],
        compiler_params=pltpu.CompilerParams(
            use_tc_tiling_on_sc=False, needs_layout_passes=False
        ),
    )
    def sc(tbl_hbm, src_hbm, dst_hbm, out_hbm,
           tbl_v, acc_v, se0, se1, de0, de1, ssems, dsems):
        c = lax.axis_index("c")
        s = lax.axis_index("s")
        ses = [se0, se1]
        des = [de0, de1]
        ebase = c * EPH
        rb = s * cpt

        def fire(ch, b):
            off = ebase + ch * CHE
            pltpu.async_copy(src_hbm.at[pl.ds(off, CHE)], ses[b], ssems[b])
            pltpu.async_copy(dst_hbm.at[pl.ds(off, CHE)], des[b], dsems[b])

        fire(0, 0)
        pltpu.sync_copy(tbl_hbm.at[pl.ds(rb, cpt)], tbl_v)
        zeros = jnp.zeros((L,), jnp.float32)

        def zb(i, carry):
            for k in range(cpt):
                acc_v[k, pl.ds(i * L, L)] = zeros
            return carry

        lax.fori_loop(0, NP // L, zb, 0)

        def wait(ch, b):
            off = ebase + ch * CHE
            pltpu.make_async_copy(src_hbm.at[pl.ds(off, CHE)],
                                  ses[b], ssems[b]).wait()
            pltpu.make_async_copy(dst_hbm.at[pl.ds(off, CHE)],
                                  des[b], dsems[b]).wait()

        def process(ch, b):
            wait(ch, b)
            se = ses[b]
            de = des[b]

            UNR = 4

            def inner(i, carry):
                svs = [se[pl.ds((UNR * i + u) * L, L)] for u in range(UNR)]
                dvs = [de[pl.ds((UNR * i + u) * L, L)] for u in range(UNR)]
                gs = []
                for u in range(UNR):
                    for k in range(cpt):
                        kv = jnp.full((L,), k, jnp.int32)
                        gs.append(plsc.load_gather(tbl_v, [kv, svs[u]]))
                for u in range(UNR):
                    for k in range(cpt):
                        kv = jnp.full((L,), k, jnp.int32)
                        plsc.addupdate_scatter(acc_v, [kv, dvs[u]],
                                               gs[u * cpt + k])
                return carry

            lax.fori_loop(0, CHE // (UNR * L), inner, 0)

        def grp(g, carry):
            j0 = 2 * g
            fire(jnp.minimum(j0 + 1, NCH - 1), 1)
            process(j0, 0)
            fire(jnp.minimum(j0 + 2, NCH - 1), 0)
            process(j0 + 1, 1)
            return carry

        lax.fori_loop(0, NCH // 2, grp, 0)
        wait(NCH - 1, 0)
        pltpu.sync_copy(acc_v, out_hbm.at[c, pl.ds(rb, cpt)])

    return sc


@functools.cache
def _sc_degree_count():
    epw = EP // (NC * NS)
    mesh = plsc.VectorSubcoreMesh(
        core_axis_name="c", subcore_axis_name="s", num_cores=NC, num_subcores=NS
    )

    @functools.partial(
        pl.kernel,
        out_type=jax.ShapeDtypeStruct((NC * NS, NP), jnp.float32),
        mesh=mesh,
        scratch_types=[
            pltpu.VMEM((NP,), jnp.float32),
            pltpu.VMEM((epw,), jnp.int32),
        ],
        compiler_params=pltpu.CompilerParams(
            use_tc_tiling_on_sc=False, needs_layout_passes=False
        ),
    )
    def sc(dst_hbm, out_hbm, cnt_v, de_v):
        c = lax.axis_index("c")
        s = lax.axis_index("s")
        w = c * NS + s
        pltpu.sync_copy(dst_hbm.at[pl.ds(w * epw, epw)], de_v)
        zeros = jnp.zeros((L,), jnp.float32)

        def zb(i, carry):
            cnt_v[pl.ds(i * L, L)] = zeros
            return carry

        lax.fori_loop(0, NP // L, zb, 0)
        ones = jnp.ones((L,), jnp.float32)

        def inner(i, carry):
            for u in range(4):
                dv = de_v[pl.ds((4 * i + u) * L, L)]
                plsc.addupdate_scatter(cnt_v, [dv], ones)
            return carry

        lax.fori_loop(0, epw // (4 * L), inner, 0)
        pltpu.sync_copy(cnt_v, out_hbm.at[w])

    return sc


def _tc1_body(xt_ref, wl_ref, wr_ref, b1_ref, y1t_ref, xr1t_ref):
    xt = xt_ref[...]
    y1t_ref[...] = jnp.dot(wl_ref[...], xt, preferred_element_type=jnp.float32)
    xr1t_ref[...] = jnp.dot(wr_ref[...], xt,
                            preferred_element_type=jnp.float32) + b1_ref[...]


def _tc2_body(acc_ref, cnt_ref, xr1t_ref, wl2_ref, wr2_ref, b2_ref,
              y2t_ref, hr2t_ref, inv8_ref):
    a = acc_ref[0] + acc_ref[1]
    cnt = jnp.sum(cnt_ref[...], axis=0, keepdims=True)
    inv = 1.0 / jnp.maximum(cnt, 1.0)
    h = jnp.maximum(a * inv + xr1t_ref[...], 0.0)
    y2t_ref[...] = jnp.dot(wl2_ref[...], h, preferred_element_type=jnp.float32)
    hr2t_ref[...] = jnp.dot(wr2_ref[...], h,
                            preferred_element_type=jnp.float32) + b2_ref[...]
    inv8_ref[...] = jnp.broadcast_to(inv, (8, NP))


def _tc3_body(acc2_ref, hr2t_ref, inv8_ref, w3_ref, b3_ref, out_ref):
    a2 = acc2_ref[0] + acc2_ref[1]
    h2 = a2 * inv8_ref[...][0:1, :] + hr2t_ref[...]
    out_ref[...] = jnp.dot(w3_ref[...], h2,
                           preferred_element_type=jnp.float32) + b3_ref[...]


def kernel(x, edge_index, Wl1, Wr1, b1, Wl2, Wr2, b2, W3, b3):
    xt = jnp.pad(x, ((0, NP - N), (0, 0))).T
    ei = edge_index.astype(jnp.int32)
    pad = jnp.full((EP - E,), N, jnp.int32)
    src = jnp.concatenate([ei[0], pad])
    dst = jnp.concatenate([ei[1], pad])

    cnt = _sc_degree_count()(dst)

    y1t, xr1t = pl.pallas_call(
        _tc1_body,
        out_shape=(jax.ShapeDtypeStruct((64, NP), jnp.float32),
                   jax.ShapeDtypeStruct((64, NP), jnp.float32)),
    )(xt, Wl1.T, Wr1.T, b1.reshape(64, 1))

    acc1 = _sc_edge_pass(64)(y1t, src, dst)

    y2t, hr2t, inv8 = pl.pallas_call(
        _tc2_body,
        out_shape=(jax.ShapeDtypeStruct((32, NP), jnp.float32),
                   jax.ShapeDtypeStruct((32, NP), jnp.float32),
                   jax.ShapeDtypeStruct((8, NP), jnp.float32)),
    )(acc1, cnt, xr1t, Wl2.T, Wr2.T, b2.reshape(32, 1))

    acc2 = _sc_edge_pass(32)(y2t, src, dst)

    w3t = jnp.pad(W3.T, ((0, 6), (0, 0)))
    b3t = jnp.pad(b3, (0, 6)).reshape(8, 1)
    outt = pl.pallas_call(
        _tc3_body,
        out_shape=jax.ShapeDtypeStruct((8, NP), jnp.float32),
    )(acc2, hr2t, inv8, w3t, b3t)
    return outt[:2, :N].T

# --- scband reference (transcript-rebuilt; emitter-appended) ---
"""Pipeline reference for scband-laundering-gnn-41171556499595 (READ-ONLY COPY).

The authoritative reference and input builder live on the scoring server;
editing this copy changes nothing except your own understanding.
"""

import jax, jax.numpy as jnp
import numpy as np

N_NODES = 10000
N_EDGES = 320000
D_IN = 128


def setup_inputs(seed: int = 0) -> dict:
    key = jax.random.key(seed)
    ks = jax.random.split(key, 12)
    x = jax.random.normal(ks[0], (N_NODES, D_IN), dtype=jnp.float32)
    edge_index = jax.random.randint(ks[1], (2, N_EDGES), 0, N_NODES, dtype=jnp.int64)
    # SAGEConv(128 -> 64): lin_l (aggregated neighbors, with bias), lin_r (root, no bias)
    Wl1 = jax.random.normal(ks[2], (D_IN, 64), dtype=jnp.float32) / jnp.sqrt(D_IN)
    Wr1 = jax.random.normal(ks[3], (D_IN, 64), dtype=jnp.float32) / jnp.sqrt(D_IN)
    b1 = jnp.zeros((64,), dtype=jnp.float32)
    # SAGEConv(64 -> 32)
    Wl2 = jax.random.normal(ks[4], (64, 32), dtype=jnp.float32) / jnp.sqrt(64.0)
    Wr2 = jax.random.normal(ks[5], (64, 32), dtype=jnp.float32) / jnp.sqrt(64.0)
    b2 = jnp.zeros((32,), dtype=jnp.float32)
    # Linear(32 -> 2)
    W3 = jax.random.normal(ks[6], (32, 2), dtype=jnp.float32) / jnp.sqrt(32.0)
    b3 = jnp.zeros((2,), dtype=jnp.float32)
    return {
        "x": x, "edge_index": edge_index,
        "Wl1": Wl1, "Wr1": Wr1, "b1": b1,
        "Wl2": Wl2, "Wr2": Wr2, "b2": b2,
        "W3": W3, "b3": b3,
    }


def _sage_conv(x, edge_index, Wl, Wr, b):
    # mean aggregation of neighbor features: message x[src] scattered to dst
    src = edge_index[0]
    dst = edge_index[1]
    msg = jnp.take(x, src, axis=0)                       # gather [E, d]
    agg = jnp.zeros((x.shape[0], x.shape[1]), dtype=x.dtype).at[dst].add(msg)  # scatter-add
    cnt = jnp.zeros((x.shape[0],), dtype=x.dtype).at[dst].add(1.0)
    mean = agg / jnp.clip(cnt, 1.0, None)[:, None]
    return mean @ Wl + x @ Wr + b


def reference(x, edge_index, Wl1, Wr1, b1, Wl2, Wr2, b2, W3, b3):
    h = _sage_conv(x, edge_index, Wl1, Wr1, b1)
    h = jax.nn.relu(h)
    h = _sage_conv(h, edge_index, Wl2, Wr2, b2)
    out = h @ W3 + b3
    return out

if __name__ == "__main__":
    import jax
    _d = setup_inputs()
    print(jax.jit(kernel)(*tuple(_d.values())))

</pallas_src>

<mosaic_0001>
#map = affine_map<(d0, d1) -> (0, 0)>
#map1 = affine_map<(d0, d1) -> (0)>
#map2 = affine_map<(d0, d1) -> (0, 0, 0)>
module attributes {stable_mosaic.version = 14 : i64} {
  func.func @sc(%arg0: i32, %arg1: i32, %arg2: memref<32x10112xf32, #tpu.memory_space<hbm>>, %arg3: memref<327680xi32, #tpu.memory_space<hbm>>, %arg4: memref<327680xi32, #tpu.memory_space<hbm>>, %arg5: memref<2x32x10112xf32, #tpu.memory_space<hbm>>, %arg6: memref<2x10112xf32, #tpu.memory_space<vmem>>, %arg7: memref<2x10112xf32, #tpu.memory_space<vmem>>, %arg8: memref<8192xi32, #tpu.memory_space<vmem>>, %arg9: memref<8192xi32, #tpu.memory_space<vmem>>, %arg10: memref<8192xi32, #tpu.memory_space<vmem>>, %arg11: memref<8192xi32, #tpu.memory_space<vmem>>, %arg12: memref<!tpu.dma_semaphore, #tpu.memory_space<semaphore_mem>>, %arg13: memref<!tpu.dma_semaphore, #tpu.memory_space<semaphore_mem>>, %arg14: memref<!tpu.dma_semaphore, #tpu.memory_space<semaphore_mem>>, %arg15: memref<!tpu.dma_semaphore, #tpu.memory_space<semaphore_mem>>) attributes {dimension_semantics = [#tpu.dimension_semantics<core_parallel>, #tpu.dimension_semantics<subcore_parallel>], iteration_bounds = array<i64: 2, 16>, scalar_prefetch = 0 : i64, scratch_operands = 10 : i64, tpu.core_type = #tpu.core_type<sc_vector_subcore>, window_params = [{transform_indices = #map}, {transform_indices = #map1}, {transform_indices = #map1}, {transform_indices = #map2}]} {
    %mul3A = arith.constant 163840 : i32
    %mul3A_0 = arith.muli %arg0, %mul3A : i32
    %mul3A_1 = arith.constant 2 : i32
    %mul3A_2 = arith.muli %arg1, %mul3A_1 : i32
    %add3A = arith.constant 0 : i32
    %add3A_3 = arith.addi %mul3A_0, %add3A : i32
    %dma_start3A = tpu.memref_slice %arg3[%add3A_3] : memref<327680xi32, #tpu.memory_space<hbm>> -> memref<8192xi32, #tpu.memory_space<hbm>>
    %dma_start3A_4 = tpu.memref_slice %arg3[%add3A_3] : memref<327680xi32, #tpu.memory_space<hbm>> -> memref<8192xi32, #tpu.memory_space<hbm>>
    tpu.enqueue_dma source(%dma_start3A_4 : memref<8192xi32, #tpu.memory_space<hbm>>) target(%arg8 : memref<8192xi32, #tpu.memory_space<vmem>>) target_semaphore(%arg12 : memref<!tpu.dma_semaphore, #tpu.memory_space<semaphore_mem>>)
    %dma_start3A_5 = tpu.memref_slice %arg4[%add3A_3] : memref<327680xi32, #tpu.memory_space<hbm>> -> memref<8192xi32, #tpu.memory_space<hbm>>
    %dma_start3A_6 = tpu.memref_slice %arg4[%add3A_3] : memref<327680xi32, #tpu.memory_space<hbm>> -> memref<8192xi32, #tpu.memory_space<hbm>>
    tpu.enqueue_dma source(%dma_start3A_6 : memref<8192xi32, #tpu.memory_space<hbm>>) target(%arg10 : memref<8192xi32, #tpu.memory_space<vmem>>) target_semaphore(%arg14 : memref<!tpu.dma_semaphore, #tpu.memory_space<semaphore_mem>>)
    "tpu.region"() ({
      %run_scoped3A = tpu.sem_alloc : memref<!tpu.dma_semaphore, #tpu.memory_space<semaphore_mem>>
      %dma_start3A_24 = arith.constant 0 : i32
      %dma_start3A_25 = tpu.memref_slice %arg2[%mul3A_2, %dma_start3A_24] : memref<32x10112xf32, #tpu.memory_space<hbm>> -> memref<2x10112xf32, #tpu.memory_space<hbm>>
      %dma_start3A_26 = arith.constant 0 : i32
      %dma_start3A_27 = tpu.memref_slice %arg2[%mul3A_2, %dma_start3A_26] : memref<32x10112xf32, #tpu.memory_space<hbm>> -> memref<2x10112xf32, #tpu.memory_space<hbm>>
      tpu.enqueue_dma source(%dma_start3A_27 : memref<2x10112xf32, #tpu.memory_space<hbm>>) target(%arg6 : memref<2x10112xf32, #tpu.memory_space<vmem>>) target_semaphore(%run_scoped3A : memref<!tpu.dma_semaphore, #tpu.memory_space<semaphore_mem>>)
      %dma_wait3A_28 = arith.constant 0 : i32
      %dma_wait3A_29 = tpu.memref_slice %arg2[%mul3A_2, %dma_wait3A_28] : memref<32x10112xf32, #tpu.memory_space<hbm>> -> memref<2x10112xf32, #tpu.memory_space<hbm>>
      %dma_wait3A_30 = arith.constant 0 : i32
      %dma_wait3A_31 = tpu.memref_slice %arg2[%mul3A_2, %dma_wait3A_30] : memref<32x10112xf32, #tpu.memory_space<hbm>> -> memref<2x10112xf32, #tpu.memory_space<hbm>>
      tpu.wait_dma2 semaphore(%run_scoped3A : memref<!tpu.dma_semaphore, #tpu.memory_space<semaphore_mem>>) src(%dma_wait3A_31 : memref<2x10112xf32, #tpu.memory_space<hbm>>) dst(%arg6 : memref<2x10112xf32, #tpu.memory_space<vmem>>)
      tpu.yield
    }) : () -> ()
    %broadcast_in_dim3A = arith.constant 0.000000e+00 : f32
    %broadcast_in_dim3A_7 = vector.broadcast %broadcast_in_dim3A : f32 to vector<16xf32>
    %scan3A = arith.constant 0 : i32
    %scan3A_8 = arith.constant 0 : i32
    %scan3A_9 = arith.constant 632 : i32
    %scan3A_10 = arith.addi %scan3A_8, %scan3A_9 : i32
    %scan3A_11 = arith.constant 1 : i32
    scf.for %scan3A_24 = %scan3A_8 to %scan3A_10 step %scan3A_11  : i32 {
      %mul3A_25 = arith.constant 16 : i32
      %mul3A_26 = arith.muli %scan3A_24, %mul3A_25 : i32
      %swap3A = arith.constant 0 : i32
      %swap3A_27 = arith.index_cast %swap3A : i32 to index
      %swap3A_28 = arith.index_cast %mul3A_26 : i32 to index
      %swap3A_29 = tpu.vector_load %arg7[%swap3A_27, %swap3A_28] {strides = array<i32>} : memref<2x10112xf32, #tpu.memory_space<vmem>>, vector<16xf32>,
      tpu.vector_store %arg7[%swap3A_27, %swap3A_28], %broadcast_in_dim3A_7 {strides = array<i32>} : memref<2x10112xf32, #tpu.memory_space<vmem>>, vector<16xf32>,
      %mul3A_30 = arith.constant 16 : i32
      %mul3A_31 = arith.muli %scan3A_24, %mul3A_30 : i32
      %swap3A_32 = arith.constant 1 : i32
      %swap3A_33 = arith.index_cast %swap3A_32 : i32 to index
      %swap3A_34 = arith.index_cast %mul3A_31 : i32 to index
      %swap3A_35 = tpu.vector_load %arg7[%swap3A_33, %swap3A_34] {strides = array<i32>} : memref<2x10112xf32, #tpu.memory_space<vmem>>, vector<16xf32>,
      tpu.vector_store %arg7[%swap3A_33, %swap3A_34], %broadcast_in_dim3A_7 {strides = array<i32>} : memref<2x10112xf32, #tpu.memory_space<vmem>>, vector<16xf32>,
    }
    %scan3A_12 = arith.constant 632 : i32
    %scan3A_13 = arith.constant 0 : i32
    %scan3A_14 = arith.constant 0 : i32
    %scan3A_15 = arith.constant 10 : i32
    %scan3A_16 = arith.addi %scan3A_14, %scan3A_15 : i32
    %scan3A_17 = arith.constant 1 : i32
    scf.for %scan3A_24 = %scan3A_14 to %scan3A_16 step %scan3A_17  : i32 {
      %mul3A_25 = arith.constant 2 : i32
      %mul3A_26 = arith.muli %mul3A_25, %scan3A_24 : i32
      %add3A_27 = arith.constant 1 : i32
      %add3A_28 = arith.addi %mul3A_26, %add3A_27 : i32
      %min3A = arith.constant 19 : i32
      %min3A_29 = arith.minsi %add3A_28, %min3A : i32
      %mul3A_30 = arith.constant 8192 : i32
      %mul3A_31 = arith.muli %min3A_29, %mul3A_30 : i32
      %add3A_32 = arith.addi %mul3A_0, %mul3A_31 : i32
      %dma_start3A_33 = tpu.memref_slice %arg3[%add3A_32] : memref<327680xi32, #tpu.memory_space<hbm>> -> memref<8192xi32, #tpu.memory_space<hbm>>
      %dma_start3A_34 = tpu.memref_slice %arg3[%add3A_32] : memref<327680xi32, #tpu.memory_space<hbm>> -> memref<8192xi32, #tpu.memory_space<hbm>>
      tpu.enqueue_dma source(%dma_start3A_34 : memref<8192xi32, #tpu.memory_space<hbm>>) target(%arg9 : memref<8192xi32, #tpu.memory_space<vmem>>) target_semaphore(%arg13 : memref<!tpu.dma_semaphore, #tpu.memory_space<semaphore_mem>>)
      %dma_start3A_35 = tpu.memref_slice %arg4[%add3A_32] : memref<327680xi32, #tpu.memory_space<hbm>> -> memref<8192xi32, #tpu.memory_space<hbm>>
      %dma_start3A_36 = tpu.memref_slice %arg4[%add3A_32] : memref<327680xi32, #tpu.memory_space<hbm>> -> memref<8192xi32, #tpu.memory_space<hbm>>
      tpu.enqueue_dma source(%dma_start3A_36 : memref<8192xi32, #tpu.memory_space<hbm>>) target(%arg11 : memref<8192xi32, #tpu.memory_space<vmem>>) target_semaphore(%arg15 : memref<!tpu.dma_semaphore, #tpu.memory_space<semaphore_mem>>)
      %mul3A_37 = arith.constant 8192 : i32
      %mul3A_38 = arith.muli %mul3A_26, %mul3A_37 : i32
      %add3A_39 = arith.addi %mul3A_0, %mul3A_38 : i32
      %dma_wait3A_40 = tpu.memref_slice %arg3[%add3A_39] : memref<327680xi32, #tpu.memory_space<hbm>> -> memref<8192xi32, #tpu.memory_space<hbm>>
      %dma_wait3A_41 = tpu.memref_slice %arg3[%add3A_39] : memref<327680xi32, #tpu.memory_space<hbm>> -> memref<8192xi32, #tpu.memory_space<hbm>>
      tpu.wait_dma2 semaphore(%arg12 : memref<!tpu.dma_semaphore, #tpu.memory_space<semaphore_mem>>) src(%dma_wait3A_41 : memref<8192xi32, #tpu.memory_space<hbm>>) dst(%arg8 : memref<8192xi32, #tpu.memory_space<vmem>>)
      %dma_wait3A_42 = tpu.memref_slice %arg4[%add3A_39] : memref<327680xi32, #tpu.memory_space<hbm>> -> memref<8192xi32, #tpu.memory_space<hbm>>
      %dma_wait3A_43 = tpu.memref_slice %arg4[%add3A_39] : memref<327680xi32, #tpu.memory_space<hbm>> -> memref<8192xi32, #tpu.memory_space<hbm>>
      tpu.wait_dma2 semaphore(%arg14 : memref<!tpu.dma_semaphore, #tpu.memory_space<semaphore_mem>>) src(%dma_wait3A_43 : memref<8192xi32, #tpu.memory_space<hbm>>) dst(%arg10 : memref<8192xi32, #tpu.memory_space<vmem>>)
      %scan3A_44 = arith.constant 0 : i32
      %scan3A_45 = arith.constant 0 : i32
      %scan3A_46 = arith.constant 128 : i32
      %scan3A_47 = arith.addi %scan3A_45, %scan3A_46 : i32
      %scan3A_48 = arith.constant 1 : i32
      scf.for %scan3A_76 = %scan3A_45 to %scan3A_47 step %scan3A_48  : i32 {
        %mul3A_77 = arith.constant 4 : i32
        %mul3A_78 = arith.muli %mul3A_77, %scan3A_76 : i32
        %add3A_79 = arith.constant 0 : i32
        %add3A_80 = arith.addi %mul3A_78, %add3A_79 : i32
        %mul3A_81 = arith.constant 16 : i32
        %mul3A_82 = arith.muli %add3A_80, %mul3A_81 : i32
        %get3A = arith.index_cast %mul3A_82 : i32 to index
        %get3A_83 = tpu.vector_load %arg8[%get3A] {strides = array<i32>} : memref<8192xi32, #tpu.memory_space<vmem>>, vector<16xi32>,
        %mul3A_84 = arith.constant 4 : i32
        %mul3A_85 = arith.muli %mul3A_84, %scan3A_76 : i32
        %add3A_86 = arith.constant 1 : i32
        %add3A_87 = arith.addi %mul3A_85, %add3A_86 : i32
        %mul3A_88 = arith.constant 16 : i32
        %mul3A_89 = arith.muli %add3A_87, %mul3A_88 : i32
        %get3A_90 = arith.index_cast %mul3A_89 : i32 to index
        %get3A_91 = tpu.vector_load %arg8[%get3A_90] {strides = array<i32>} : memref<8192xi32, #tpu.memory_space<vmem>>, vector<16xi32>,
        %mul3A_92 = arith.constant 4 : i32
        %mul3A_93 = arith.muli %mul3A_92, %scan3A_76 : i32
        %add3A_94 = arith.constant 2 : i32
        %add3A_95 = arith.addi %mul3A_93, %add3A_94 : i32
        %mul3A_96 = arith.constant 16 : i32
        %mul3A_97 = arith.muli %add3A_95, %mul3A_96 : i32
        %get3A_98 = arith.index_cast %mul3A_97 : i32 to index
        %get3A_99 = tpu.vector_load %arg8[%get3A_98] {strides = array<i32>} : memref<8192xi32, #tpu.memory_space<vmem>>, vector<16xi32>,
        %mul3A_100 = arith.constant 4 : i32
        %mul3A_101 = arith.muli %mul3A_100, %scan3A_76 : i32
        %add3A_102 = arith.constant 3 : i32
        %add3A_103 = arith.addi %mul3A_101, %add3A_102 : i32
        %mul3A_104 = arith.constant 16 : i32
        %mul3A_105 = arith.muli %add3A_103, %mul3A_104 : i32
        %get3A_106 = arith.index_cast %mul3A_105 : i32 to index
        %get3A_107 = tpu.vector_load %arg8[%get3A_106] {strides = array<i32>} : memref<8192xi32, #tpu.memory_space<vmem>>, vector<16xi32>,
        %mul3A_108 = arith.constant 4 : i32
        %mul3A_109 = arith.muli %mul3A_108, %scan3A_76 : i32
        %add3A_110 = arith.constant 0 : i32
        %add3A_111 = arith.addi %mul3A_109, %add3A_110 : i32
        %mul3A_112 = arith.constant 16 : i32
        %mul3A_113 = arith.muli %add3A_111, %mul3A_112 : i32
        %get3A_114 = arith.index_cast %mul3A_113 : i32 to index
        %get3A_115 = tpu.vector_load %arg10[%get3A_114] {strides = array<i32>} : memref<8192xi32, #tpu.memory_space<vmem>>, vector<16xi32>,
        %mul3A_116 = arith.constant 4 : i32
        %mul3A_117 = arith.muli %mul3A_116, %scan3A_76 : i32
        %add3A_118 = arith.constant 1 : i32
        %add3A_119 = arith.addi %mul3A_117, %add3A_118 : i32
        %mul3A_120 = arith.constant 16 : i32
        %mul3A_121 = arith.muli %add3A_119, %mul3A_120 : i32
        %get3A_122 = arith.index_cast %mul3A_121 : i32 to index
        %get3A_123 = tpu.vector_load %arg10[%get3A_122] {strides = array<i32>} : memref<8192xi32, #tpu.memory_space<vmem>>, vector<16xi32>,
        %mul3A_124 = arith.constant 4 : i32
        %mul3A_125 = arith.muli %mul3A_124, %scan3A_76 : i32
        %add3A_126 = arith.constant 2 : i32
        %add3A_127 = arith.addi %mul3A_125, %add3A_126 : i32
        %mul3A_128 = arith.constant 16 : i32
        %mul3A_129 = arith.muli %add3A_127, %mul3A_128 : i32
        %get3A_130 = arith.index_cast %mul3A_129 : i32 to index
        %get3A_131 = tpu.vector_load %arg10[%get3A_130] {strides = array<i32>} : memref<8192xi32, #tpu.memory_space<vmem>>, vector<16xi32>,
        %mul3A_132 = arith.constant 4 : i32
        %mul3A_133 = arith.muli %mul3A_132, %scan3A_76 : i32
        %add3A_134 = arith.constant 3 : i32
        %add3A_135 = arith.addi %mul3A_133, %add3A_134 : i32
        %mul3A_136 = arith.constant 16 : i32
        %mul3A_137 = arith.muli %add3A_135, %mul3A_136 : i32
        %get3A_138 = arith.index_cast %mul3A_137 : i32 to index
        %get3A_139 = tpu.vector_load %arg10[%get3A_138] {strides = array<i32>} : memref<8192xi32, #tpu.memory_space<vmem>>, vector<16xi32>,
        %broadcast_in_dim3A_140 = arith.constant 0 : i32
        %broadcast_in_dim3A_141 = vector.broadcast %broadcast_in_dim3A_140 : i32 to vector<16xi32>
        %gather3A = tpu.vector_load_idx %arg6[%broadcast_in_dim3A_141, %get3A_83] : memref<2x10112xf32, #tpu.memory_space<vmem>>[vector<16xi32>, vector<16xi32>], vector<16xf32>,
        %broadcast_in_dim3A_142 = arith.constant 1 : i32
        %broadcast_in_dim3A_143 = vector.broadcast %broadcast_in_dim3A_142 : i32 to vector<16xi32>
        %gather3A_144 = tpu.vector_load_idx %arg6[%broadcast_in_dim3A_143, %get3A_83] : memref<2x10112xf32, #tpu.memory_space<vmem>>[vector<16xi32>, vector<16xi32>], vector<16xf32>,
        %broadcast_in_dim3A_145 = arith.constant 0 : i32
        %broadcast_in_dim3A_146 = vector.broadcast %broadcast_in_dim3A_145 : i32 to vector<16xi32>
        %gather3A_147 = tpu.vector_load_idx %arg6[%broadcast_in_dim3A_146, %get3A_91] : memref<2x10112xf32, #tpu.memory_space<vmem>>[vector<16xi32>, vector<16xi32>], vector<16xf32>,
        %broadcast_in_dim3A_148 = arith.constant 1 : i32
        %broadcast_in_dim3A_149 = vector.broadcast %broadcast_in_dim3A_148 : i32 to vector<16xi32>
        %gather3A_150 = tpu.vector_load_idx %arg6[%broadcast_in_dim3A_149, %get3A_91] : memref<2x10112xf32, #tpu.memory_space<vmem>>[vector<16xi32>, vector<16xi32>], vector<16xf32>,
        %broadcast_in_dim3A_151 = arith.constant 0 : i32
        %broadcast_in_dim3A_152 = vector.broadcast %broadcast_in_dim3A_151 : i32 to vector<16xi32>
        %gather3A_153 = tpu.vector_load_idx %arg6[%broadcast_in_dim3A_152, %get3A_99] : memref<2x10112xf32, #tpu.memory_space<vmem>>[vector<16xi32>, vector<16xi32>], vector<16xf32>,
        %broadcast_in_dim3A_154 = arith.constant 1 : i32
        %broadcast_in_dim3A_155 = vector.broadcast %broadcast_in_dim3A_154 : i32 to vector<16xi32>
        %gather3A_156 = tpu.vector_load_idx %arg6[%broadcast_in_dim3A_155, %get3A_99] : memref<2x10112xf32, #tpu.memory_space<vmem>>[vector<16xi32>, vector<16xi32>], vector<16xf32>,
        %broadcast_in_dim3A_157 = arith.constant 0 : i32
        %broadcast_in_dim3A_158 = vector.broadcast %broadcast_in_dim3A_157 : i32 to vector<16xi32>
        %gather3A_159 = tpu.vector_load_idx %arg6[%broadcast_in_dim3A_158, %get3A_107] : memref<2x10112xf32, #tpu.memory_space<vmem>>[vector<16xi32>, vector<16xi32>], vector<16xf32>,
        %broadcast_in_dim3A_160 = arith.constant 1 : i32
        %broadcast_in_dim3A_161 = vector.broadcast %broadcast_in_dim3A_160 : i32 to vector<16xi32>
        %gather3A_162 = tpu.vector_load_idx %arg6[%broadcast_in_dim3A_161, %get3A_107] : memref<2x10112xf32, #tpu.memory_space<vmem>>[vector<16xi32>, vector<16xi32>], vector<16xf32>,
        %broadcast_in_dim3A_163 = arith.constant 0 : i32
        %broadcast_in_dim3A_164 = vector.broadcast %broadcast_in_dim3A_163 : i32 to vector<16xi32>
        tpu.vector_store_idx %arg7[%broadcast_in_dim3A_164, %get3A_115], %gather3A {add = true} : memref<2x10112xf32, #tpu.memory_space<vmem>>[vector<16xi32>, vector<16xi32>], vector<16xf32>,
        %broadcast_in_dim3A_165 = arith.constant 1 : i32
        %broadcast_in_dim3A_166 = vector.broadcast %broadcast_in_dim3A_165 : i32 to vector<16xi32>
        tpu.vector_store_idx %arg7[%broadcast_in_dim3A_166, %get3A_115], %gather3A_144 {add = true} : memref<2x10112xf32, #tpu.memory_space<vmem>>[vector<16xi32>, vector<16xi32>], vector<16xf32>,
        %broadcast_in_dim3A_167 = arith.constant 0 : i32
        %broadcast_in_dim3A_168 = vector.broadcast %broadcast_in_dim3A_167 : i32 to vector<16xi32>
        tpu.vector_store_idx %arg7[%broadcast_in_dim3A_168, %get3A_123], %gather3A_147 {add = true} : memref<2x10112xf32, #tpu.memory_space<vmem>>[vector<16xi32>, vector<16xi32>], vector<16xf32>,
        %broadcast_in_dim3A_169 = arith.constant 1 : i32
        %broadcast_in_dim3A_170 = vector.broadcast %broadcast_in_dim3A_169 : i32 to vector<16xi32>
        tpu.vector_store_idx %arg7[%broadcast_in_dim3A_170, %get3A_123], %gather3A_150 {add = true} : memref<2x10112xf32, #tpu.memory_space<vmem>>[vector<16xi32>, vector<16xi32>], vector<16xf32>,
        %broadcast_in_dim3A_171 = arith.constant 0 : i32
        %broadcast_in_dim3A_172 = vector.broadcast %broadcast_in_dim3A_171 : i32 to vector<16xi32>
        tpu.vector_store_idx %arg7[%broadcast_in_dim3A_172, %get3A_131], %gather3A_153 {add = true} : memref<2x10112xf32, #tpu.memory_space<vmem>>[vector<16xi32>, vector<16xi32>], vector<16xf32>,
        %broadcast_in_dim3A_173 = arith.constant 1 : i32
        %broadcast_in_dim3A_174 = vector.broadcast %broadcast_in_dim3A_173 : i32 to vector<16xi32>
        tpu.vector_store_idx %arg7[%broadcast_in_dim3A_174, %get3A_131], %gather3A_156 {add = true} : memref<2x10112xf32, #tpu.memory_space<vmem>>[vector<16xi32>, vector<16xi32>], vector<16xf32>,
        %broadcast_in_dim3A_175 = arith.constant 0 : i32
        %broadcast_in_dim3A_176 = vector.broadcast %broadcast_in_dim3A_175 : i32 to vector<16xi32>
        tpu.vector_store_idx %arg7[%broadcast_in_dim3A_176, %get3A_139], %gather3A_159 {add = true} : memref<2x10112xf32, #tpu.memory_space<vmem>>[vector<16xi32>, vector<16xi32>], vector<16xf32>,
        %broadcast_in_dim3A_177 = arith.constant 1 : i32
        %broadcast_in_dim3A_178 = vector.broadcast %broadcast_in_dim3A_177 : i32 to vector<16xi32>
        tpu.vector_store_idx %arg7[%broadcast_in_dim3A_178, %get3A_139], %gather3A_162 {add = true} : memref<2x10112xf32, #tpu.memory_space<vmem>>[vector<16xi32>, vector<16xi32>], vector<16xf32>,
      }
      %scan3A_49 = arith.constant 128 : i32
      %add3A_50 = arith.constant 2 : i32
      %add3A_51 = arith.addi %mul3A_26, %add3A_50 : i32
      %min3A_52 = arith.constant 19 : i32
      %min3A_53 = arith.minsi %add3A_51, %min3A_52 : i32
      %mul3A_54 = arith.constant 8192 : i32
      %mul3A_55 = arith.muli %min3A_53, %mul3A_54 : i32
      %add3A_56 = arith.addi %mul3A_0, %mul3A_55 : i32
      %dma_start3A_57 = tpu.memref_slice %arg3[%add3A_56] : memref<327680xi32, #tpu.memory_space<hbm>> -> memref<8192xi32, #tpu.memory_space<hbm>>
      %dma_start3A_58 = tpu.memref_slice %arg3[%add3A_56] : memref<327680xi32, #tpu.memory_space<hbm>> -> memref<8192xi32, #tpu.memory_space<hbm>>
      tpu.enqueue_dma source(%dma_start3A_58 : memref<8192xi32, #tpu.memory_space<hbm>>) target(%arg8 : memref<8192xi32, #tpu.memory_space<vmem>>) target_semaphore(%arg12 : memref<!tpu.dma_semaphore, #tpu.memory_space<semaphore_mem>>)
      %dma_start3A_59 = tpu.memref_slice %arg4[%add3A_56] : memref<327680xi32, #tpu.memory_space<hbm>> -> memref<8192xi32, #tpu.memory_space<hbm>>
      %dma_start3A_60 = tpu.memref_slice %arg4[%add3A_56] : memref<327680xi32, #tpu.memory_space<hbm>> -> memref<8192xi32, #tpu.memory_space<hbm>>
      tpu.enqueue_dma source(%dma_start3A_60 : memref<8192xi32, #tpu.memory_space<hbm>>) target(%arg10 : memref<8192xi32, #tpu.memory_space<vmem>>) target_semaphore(%arg14 : memref<!tpu.dma_semaphore, #tpu.memory_space<semaphore_mem>>)
      %add3A_61 = arith.constant 1 : i32
      %add3A_62 = arith.addi %mul3A_26, %add3A_61 : i32
      %mul3A_63 = arith.constant 8192 : i32
      %mul3A_64 = arith.muli %add3A_62, %mul3A_63 : i32
      %add3A_65 = arith.addi %mul3A_0, %mul3A_64 : i32
      %dma_wait3A_66 = tpu.memref_slice %arg3[%add3A_65] : memref<327680xi32, #tpu.memory_space<hbm>> -> memref<8192xi32, #tpu.memory_space<hbm>>
      %dma_wait3A_67 = tpu.memref_slice %arg3[%add3A_65] : memref<327680xi32, #tpu.memory_space<hbm>> -> memref<8192xi32, #tpu.memory_space<hbm>>
      tpu.wait_dma2 semaphore(%arg13 : memref<!tpu.dma_semaphore, #tpu.memory_space<semaphore_mem>>) src(%dma_wait3A_67 : memref<8192xi32, #tpu.memory_space<hbm>>) dst(%arg9 : memref<8192xi32, #tpu.memory_space<vmem>>)
      %dma_wait3A_68 = tpu.memref_slice %arg4[%add3A_65] : memref<327680xi32, #tpu.memory_space<hbm>> -> memref<8192xi32, #tpu.memory_space<hbm>>
      %dma_wait3A_69 = tpu.memref_slice %arg4[%add3A_65] : memref<327680xi32, #tpu.memory_space<hbm>> -> memref<8192xi32, #tpu.memory_space<hbm>>
      tpu.wait_dma2 semaphore(%arg15 : memref<!tpu.dma_semaphore, #tpu.memory_space<semaphore_mem>>) src(%dma_wait3A_69 : memref<8192xi32, #tpu.memory_space<hbm>>) dst(%arg11 : memref<8192xi32, #tpu.memory_space<vmem>>)
      %scan3A_70 = arith.constant 0 : i32
      %scan3A_71 = arith.constant 0 : i32
      %scan3A_72 = arith.constant 128 : i32
      %scan3A_73 = arith.addi %scan3A_71, %scan3A_72 : i32
      %scan3A_74 = arith.constant 1 : i32
      scf.for %scan3A_76 = %scan3A_71 to %scan3A_73 step %scan3A_74  : i32 {
        %mul3A_77 = arith.constant 4 : i32
        %mul3A_78 = arith.muli %mul3A_77, %scan3A_76 : i32
        %add3A_79 = arith.constant 0 : i32
        %add3A_80 = arith.addi %mul3A_78, %add3A_79 : i32
        %mul3A_81 = arith.constant 16 : i32
        %mul3A_82 = arith.muli %add3A_80, %mul3A_81 : i32
        %get3A = arith.index_cast %mul3A_82 : i32 to index
        %get3A_83 = tpu.vector_load %arg9[%get3A] {strides = array<i32>} : memref<8192xi32, #tpu.memory_space<vmem>>, vector<16xi32>,
        %mul3A_84 = arith.constant 4 : i32
        %mul3A_85 = arith.muli %mul3A_84, %scan3A_76 : i32
        %add3A_86 = arith.constant 1 : i32
        %add3A_87 = arith.addi %mul3A_85, %add3A_86 : i32
        %mul3A_88 = arith.constant 16 : i32
        %mul3A_89 = arith.muli %add3A_87, %mul3A_88 : i32
        %get3A_90 = arith.index_cast %mul3A_89 : i32 to index
        %get3A_91 = tpu.vector_load %arg9[%get3A_90] {strides = array<i32>} : memref<8192xi32, #tpu.memory_space<vmem>>, vector<16xi32>,
        %mul3A_92 = arith.constant 4 : i32
        %mul3A_93 = arith.muli %mul3A_92, %scan3A_76 : i32
        %add3A_94 = arith.constant 2 : i32
        %add3A_95 = arith.addi %mul3A_93, %add3A_94 : i32
        %mul3A_96 = arith.constant 16 : i32
        %mul3A_97 = arith.muli %add3A_95, %mul3A_96 : i32
        %get3A_98 = arith.index_cast %mul3A_97 : i32 to index
        %get3A_99 = tpu.vector_load %arg9[%get3A_98] {strides = array<i32>} : memref<8192xi32, #tpu.memory_space<vmem>>, vector<16xi32>,
        %mul3A_100 = arith.constant 4 : i32
        %mul3A_101 = arith.muli %mul3A_100, %scan3A_76 : i32
        %add3A_102 = arith.constant 3 : i32
        %add3A_103 = arith.addi %mul3A_101, %add3A_102 : i32
        %mul3A_104 = arith.constant 16 : i32
        %mul3A_105 = arith.muli %add3A_103, %mul3A_104 : i32
        %get3A_106 = arith.index_cast %mul3A_105 : i32 to index
        %get3A_107 = tpu.vector_load %arg9[%get3A_106] {strides = array<i32>} : memref<8192xi32, #tpu.memory_space<vmem>>, vector<16xi32>,
        %mul3A_108 = arith.constant 4 : i32
        %mul3A_109 = arith.muli %mul3A_108, %scan3A_76 : i32
        %add3A_110 = arith.constant 0 : i32
        %add3A_111 = arith.addi %mul3A_109, %add3A_110 : i32
        %mul3A_112 = arith.constant 16 : i32
        %mul3A_113 = arith.muli %add3A_111, %mul3A_112 : i32
        %get3A_114 = arith.index_cast %mul3A_113 : i32 to index
        %get3A_115 = tpu.vector_load %arg11[%get3A_114] {strides = array<i32>} : memref<8192xi32, #tpu.memory_space<vmem>>, vector<16xi32>,
        %mul3A_116 = arith.constant 4 : i32
        %mul3A_117 = arith.muli %mul3A_116, %scan3A_76 : i32
        %add3A_118 = arith.constant 1 : i32
        %add3A_119 = arith.addi %mul3A_117, %add3A_118 : i32
        %mul3A_120 = arith.constant 16 : i32
        %mul3A_121 = arith.muli %add3A_119, %mul3A_120 : i32
        %get3A_122 = arith.index_cast %mul3A_121 : i32 to index
        %get3A_123 = tpu.vector_load %arg11[%get3A_122] {strides = array<i32>} : memref<8192xi32, #tpu.memory_space<vmem>>, vector<16xi32>,
        %mul3A_124 = arith.constant 4 : i32
        %mul3A_125 = arith.muli %mul3A_124, %scan3A_76 : i32
        %add3A_126 = arith.constant 2 : i32
        %add3A_127 = arith.addi %mul3A_125, %add3A_126 : i32
        %mul3A_128 = arith.constant 16 : i32
        %mul3A_129 = arith.muli %add3A_127, %mul3A_128 : i32
        %get3A_130 = arith.index_cast %mul3A_129 : i32 to index
        %get3A_131 = tpu.vector_load %arg11[%get3A_130] {strides = array<i32>} : memref<8192xi32, #tpu.memory_space<vmem>>, vector<16xi32>,
        %mul3A_132 = arith.constant 4 : i32
        %mul3A_133 = arith.muli %mul3A_132, %scan3A_76 : i32
        %add3A_134 = arith.constant 3 : i32
        %add3A_135 = arith.addi %mul3A_133, %add3A_134 : i32
        %mul3A_136 = arith.constant 16 : i32
        %mul3A_137 = arith.muli %add3A_135, %mul3A_136 : i32
        %get3A_138 = arith.index_cast %mul3A_137 : i32 to index
        %get3A_139 = tpu.vector_load %arg11[%get3A_138] {strides = array<i32>} : memref<8192xi32, #tpu.memory_space<vmem>>, vector<16xi32>,
        %broadcast_in_dim3A_140 = arith.constant 0 : i32
        %broadcast_in_dim3A_141 = vector.broadcast %broadcast_in_dim3A_140 : i32 to vector<16xi32>
        %gather3A = tpu.vector_load_idx %arg6[%broadcast_in_dim3A_141, %get3A_83] : memref<2x10112xf32, #tpu.memory_space<vmem>>[vector<16xi32>, vector<16xi32>], vector<16xf32>,
        %broadcast_in_dim3A_142 = arith.constant 1 : i32
        %broadcast_in_dim3A_143 = vector.broadcast %broadcast_in_dim3A_142 : i32 to vector<16xi32>
        %gather3A_144 = tpu.vector_load_idx %arg6[%broadcast_in_dim3A_143, %get3A_83] : memref<2x10112xf32, #tpu.memory_space<vmem>>[vector<16xi32>, vector<16xi32>], vector<16xf32>,
        %broadcast_in_dim3A_145 = arith.constant 0 : i32
        %broadcast_in_dim3A_146 = vector.broadcast %broadcast_in_dim3A_145 : i32 to vector<16xi32>
        %gather3A_147 = tpu.vector_load_idx %arg6[%broadcast_in_dim3A_146, %get3A_91] : memref<2x10112xf32, #tpu.memory_space<vmem>>[vector<16xi32>, vector<16xi32>], vector<16xf32>,
        %broadcast_in_dim3A_148 = arith.constant 1 : i32
        %broadcast_in_dim3A_149 = vector.broadcast %broadcast_in_dim3A_148 : i32 to vector<16xi32>
        %gather3A_150 = tpu.vector_load_idx %arg6[%broadcast_in_dim3A_149, %get3A_91] : memref<2x10112xf32, #tpu.memory_space<vmem>>[vector<16xi32>, vector<16xi32>], vector<16xf32>,
        %broadcast_in_dim3A_151 = arith.constant 0 : i32
        %broadcast_in_dim3A_152 = vector.broadcast %broadcast_in_dim3A_151 : i32 to vector<16xi32>
        %gather3A_153 = tpu.vector_load_idx %arg6[%broadcast_in_dim3A_152, %get3A_99] : memref<2x10112xf32, #tpu.memory_space<vmem>>[vector<16xi32>, vector<16xi32>], vector<16xf32>,
        %broadcast_in_dim3A_154 = arith.constant 1 : i32
        %broadcast_in_dim3A_155 = vector.broadcast %broadcast_in_dim3A_154 : i32 to vector<16xi32>
        %gather3A_156 = tpu.vector_load_idx %arg6[%broadcast_in_dim3A_155, %get3A_99] : memref<2x10112xf32, #tpu.memory_space<vmem>>[vector<16xi32>, vector<16xi32>], vector<16xf32>,
        %broadcast_in_dim3A_157 = arith.constant 0 : i32
        %broadcast_in_dim3A_158 = vector.broadcast %broadcast_in_dim3A_157 : i32 to vector<16xi32>
        %gather3A_159 = tpu.vector_load_idx %arg6[%broadcast_in_dim3A_158, %get3A_107] : memref<2x10112xf32, #tpu.memory_space<vmem>>[vector<16xi32>, vector<16xi32>], vector<16xf32>,
        %broadcast_in_dim3A_160 = arith.constant 1 : i32
        %broadcast_in_dim3A_161 = vector.broadcast %broadcast_in_dim3A_160 : i32 to vector<16xi32>
        %gather3A_162 = tpu.vector_load_idx %arg6[%broadcast_in_dim3A_161, %get3A_107] : memref<2x10112xf32, #tpu.memory_space<vmem>>[vector<16xi32>, vector<16xi32>], vector<16xf32>,
        %broadcast_in_dim3A_163 = arith.constant 0 : i32
        %broadcast_in_dim3A_164 = vector.broadcast %broadcast_in_dim3A_163 : i32 to vector<16xi32>
        tpu.vector_store_idx %arg7[%broadcast_in_dim3A_164, %get3A_115], %gather3A {add = true} : memref<2x10112xf32, #tpu.memory_space<vmem>>[vector<16xi32>, vector<16xi32>], vector<16xf32>,
        %broadcast_in_dim3A_165 = arith.constant 1 : i32
        %broadcast_in_dim3A_166 = vector.broadcast %broadcast_in_dim3A_165 : i32 to vector<16xi32>
        tpu.vector_store_idx %arg7[%broadcast_in_dim3A_166, %get3A_115], %gather3A_144 {add = true} : memref<2x10112xf32, #tpu.memory_space<vmem>>[vector<16xi32>, vector<16xi32>], vector<16xf32>,
        %broadcast_in_dim3A_167 = arith.constant 0 : i32
        %broadcast_in_dim3A_168 = vector.broadcast %broadcast_in_dim3A_167 : i32 to vector<16xi32>
        tpu.vector_store_idx %arg7[%broadcast_in_dim3A_168, %get3A_123], %gather3A_147 {add = true} : memref<2x10112xf32, #tpu.memory_space<vmem>>[vector<16xi32>, vector<16xi32>], vector<16xf32>,
        %broadcast_in_dim3A_169 = arith.constant 1 : i32
        %broadcast_in_dim3A_170 = vector.broadcast %broadcast_in_dim3A_169 : i32 to vector<16xi32>
        tpu.vector_store_idx %arg7[%broadcast_in_dim3A_170, %get3A_123], %gather3A_150 {add = true} : memref<2x10112xf32, #tpu.memory_space<vmem>>[vector<16xi32>, vector<16xi32>], vector<16xf32>,
        %broadcast_in_dim3A_171 = arith.constant 0 : i32
        %broadcast_in_dim3A_172 = vector.broadcast %broadcast_in_dim3A_171 : i32 to vector<16xi32>
        tpu.vector_store_idx %arg7[%broadcast_in_dim3A_172, %get3A_131], %gather3A_153 {add = true} : memref<2x10112xf32, #tpu.memory_space<vmem>>[vector<16xi32>, vector<16xi32>], vector<16xf32>,
        %broadcast_in_dim3A_173 = arith.constant 1 : i32
        %broadcast_in_dim3A_174 = vector.broadcast %broadcast_in_dim3A_173 : i32 to vector<16xi32>
        tpu.vector_store_idx %arg7[%broadcast_in_dim3A_174, %get3A_131], %gather3A_156 {add = true} : memref<2x10112xf32, #tpu.memory_space<vmem>>[vector<16xi32>, vector<16xi32>], vector<16xf32>,
        %broadcast_in_dim3A_175 = arith.constant 0 : i32
        %broadcast_in_dim3A_176 = vector.broadcast %broadcast_in_dim3A_175 : i32 to vector<16xi32>
        tpu.vector_store_idx %arg7[%broadcast_in_dim3A_176, %get3A_139], %gather3A_159 {add = true} : memref<2x10112xf32, #tpu.memory_space<vmem>>[vector<16xi32>, vector<16xi32>], vector<16xf32>,
        %broadcast_in_dim3A_177 = arith.constant 1 : i32
        %broadcast_in_dim3A_178 = vector.broadcast %broadcast_in_dim3A_177 : i32 to vector<16xi32>
        tpu.vector_store_idx %arg7[%broadcast_in_dim3A_178, %get3A_139], %gather3A_162 {add = true} : memref<2x10112xf32, #tpu.memory_space<vmem>>[vector<16xi32>, vector<16xi32>], vector<16xf32>,
      }
      %scan3A_75 = arith.constant 128 : i32
    }
    %scan3A_18 = arith.constant 10 : i32
    %add3A_19 = arith.constant 155648 : i32
    %add3A_20 = arith.addi %mul3A_0, %add3A_19 : i32
    %dma_wait3A = tpu.memref_slice %arg3[%add3A_20] : memref<327680xi32, #tpu.memory_space<hbm>> -> memref<8192xi32, #tpu.memory_space<hbm>>
    %dma_wait3A_21 = tpu.memref_slice %arg3[%add3A_20] : memref<327680xi32, #tpu.memory_space<hbm>> -> memref<8192xi32, #tpu.memory_space<hbm>>
    tpu.wait_dma2 semaphore(%arg12 : memref<!tpu.dma_semaphore, #tpu.memory_space<semaphore_mem>>) src(%dma_wait3A_21 : memref<8192xi32, #tpu.memory_space<hbm>>) dst(%arg8 : memref<8192xi32, #tpu.memory_space<vmem>>)
    %dma_wait3A_22 = tpu.memref_slice %arg4[%add3A_20] : memref<327680xi32, #tpu.memory_space<hbm>> -> memref<8192xi32, #tpu.memory_space<hbm>>
    %dma_wait3A_23 = tpu.memref_slice %arg4[%add3A_20] : memref<327680xi32, #tpu.memory_space<hbm>> -> memref<8192xi32, #tpu.memory_space<hbm>>
    tpu.wait_dma2 semaphore(%arg14 : memref<!tpu.dma_semaphore, #tpu.memory_space<semaphore_mem>>) src(%dma_wait3A_23 : memref<8192xi32, #tpu.memory_space<hbm>>) dst(%arg10 : memref<8192xi32, #tpu.memory_space<vmem>>)
    "tpu.region"() ({
      %run_scoped3A = tpu.sem_alloc : memref<!tpu.dma_semaphore, #tpu.memory_space<semaphore_mem>>
      %dma_start3A_24 = arith.constant 0 : i32
      %dma_start3A_25 = tpu.memref_slice %arg5[%arg0, %mul3A_2, %dma_start3A_24] : memref<2x32x10112xf32, #tpu.memory_space<hbm>> -> memref<1x2x10112xf32, #tpu.memory_space<hbm>>
      %dma_start3A_26 = tpu.memref_squeeze %dma_start3A_25 : memref<1x2x10112xf32, #tpu.memory_space<hbm>> -> memref<2x10112xf32, #tpu.memory_space<hbm>>
      %dma_start3A_27 = arith.constant 0 : i32
      %dma_start3A_28 = tpu.memref_slice %arg5[%arg0, %mul3A_2, %dma_start3A_27] : memref<2x32x10112xf32, #tpu.memory_space<hbm>> -> memref<1x2x10112xf32, #tpu.memory_space<hbm>>
      %dma_start3A_29 = tpu.memref_squeeze %dma_start3A_28 : memref<1x2x10112xf32, #tpu.memory_space<hbm>> -> memref<2x10112xf32, #tpu.memory_space<hbm>>
      tpu.enqueue_dma source(%arg7 : memref<2x10112xf32, #tpu.memory_space<vmem>>) target(%dma_start3A_29 : memref<2x10112xf32, #tpu.memory_space<hbm>>) target_semaphore(%run_scoped3A : memref<!tpu.dma_semaphore, #tpu.memory_space<semaphore_mem>>)
      %dma_wait3A_30 = arith.constant 0 : i32
      %dma_wait3A_31 = tpu.memref_slice %arg5[%arg0, %mul3A_2, %dma_wait3A_30] : memref<2x32x10112xf32, #tpu.memory_space<hbm>> -> memref<1x2x10112xf32, #tpu.memory_space<hbm>>
      %dma_wait3A_32 = tpu.memref_squeeze %dma_wait3A_31 : memref<1x2x10112xf32, #tpu.memory_space<hbm>> -> memref<2x10112xf32, #tpu.memory_space<hbm>>
      %dma_wait3A_33 = arith.constant 0 : i32
      %dma_wait3A_34 = tpu.memref_slice %arg5[%arg0, %mul3A_2, %dma_wait3A_33] : memref<2x32x10112xf32, #tpu.memory_space<hbm>> -> memref<1x2x10112xf32, #tpu.memory_space<hbm>>
      %dma_wait3A_35 = tpu.memref_squeeze %dma_wait3A_34 : memref<1x2x10112xf32, #tpu.memory_space<hbm>> -> memref<2x10112xf32, #tpu.memory_space<hbm>>
      tpu.wait_dma2 semaphore(%run_scoped3A : memref<!tpu.dma_semaphore, #tpu.memory_space<semaphore_mem>>) src(%arg7 : memref<2x10112xf32, #tpu.memory_space<vmem>>) dst(%dma_wait3A_35 : memref<2x10112xf32, #tpu.memory_space<hbm>>)
      tpu.yield
    }) : () -> ()
    return
  }
}

#map = affine_map<(d0, d1) -> (0, 0)>
#map1 = affine_map<(d0, d1) -> (0)>
#map2 = affine_map<(d0, d1) -> (0, 0, 0)>
module attributes {stable_mosaic.version = 14 : i64} {
  func.func @sc(%arg0: i32, %arg1: i32, %arg2: memref<64x10112xf32, #tpu.memory_space<hbm>>, %arg3: memref<327680xi32, #tpu.memory_space<hbm>>, %arg4: memref<327680xi32, #tpu.memory_space<hbm>>, %arg5: memref<2x64x10112xf32, #tpu.memory_space<hbm>>, %arg6: memref<4x10112xf32, #tpu.memory_space<vmem>>, %arg7: memref<4x10112xf32, #tpu.memory_space<vmem>>, %arg8: memref<8192xi32, #tpu.memory_space<vmem>>, %arg9: memref<8192xi32, #tpu.memory_space<vmem>>, %arg10: memref<8192xi32, #tpu.memory_space<vmem>>, %arg11: memref<8192xi32, #tpu.memory_space<vmem>>, %arg12: memref<!tpu.dma_semaphore, #tpu.memory_space<semaphore_mem>>, %arg13: memref<!tpu.dma_semaphore, #tpu.memory_space<semaphore_mem>>, %arg14: memref<!tpu.dma_semaphore, #tpu.memory_space<semaphore_mem>>, %arg15: memref<!tpu.dma_semaphore, #tpu.memory_space<semaphore_mem>>) attributes {dimension_semantics = [#tpu.dimension_semantics<core_parallel>, #tpu.dimension_semantics<subcore_parallel>], iteration_bounds = array<i64: 2, 16>, scalar_prefetch = 0 : i64, scratch_operands = 10 : i64, tpu.core_type = #tpu.core_type<sc_vector_subcore>, window_params = [{transform_indices = #map}, {transform_indices = #map1}, {transform_indices = #map1}, {transform_indices = #map2}]} {
    %mul3A = arith.constant 163840 : i32
    %mul3A_0 = arith.muli %arg0, %mul3A : i32
    %mul3A_1 = arith.constant 4 : i32
    %mul3A_2 = arith.muli %arg1, %mul3A_1 : i32
    %add3A = arith.constant 0 : i32
    %add3A_3 = arith.addi %mul3A_0, %add3A : i32
    %dma_start3A = tpu.memref_slice %arg3[%add3A_3] : memref<327680xi32, #tpu.memory_space<hbm>> -> memref<8192xi32, #tpu.memory_space<hbm>>
    %dma_start3A_4 = tpu.memref_slice %arg3[%add3A_3] : memref<327680xi32, #tpu.memory_space<hbm>> -> memref<8192xi32, #tpu.memory_space<hbm>>
    tpu.enqueue_dma source(%dma_start3A_4 : memref<8192xi32, #tpu.memory_space<hbm>>) target(%arg8 : memref<8192xi32, #tpu.memory_space<vmem>>) target_semaphore(%arg12 : memref<!tpu.dma_semaphore, #tpu.memory_space<semaphore_mem>>)
    %dma_start3A_5 = tpu.memref_slice %arg4[%add3A_3] : memref<327680xi32, #tpu.memory_space<hbm>> -> memref<8192xi32, #tpu.memory_space<hbm>>
    %dma_start3A_6 = tpu.memref_slice %arg4[%add3A_3] : memref<327680xi32, #tpu.memory_space<hbm>> -> memref<8192xi32, #tpu.memory_space<hbm>>
    tpu.enqueue_dma source(%dma_start3A_6 : memref<8192xi32, #tpu.memory_space<hbm>>) target(%arg10 : memref<8192xi32, #tpu.memory_space<vmem>>) target_semaphore(%arg14 : memref<!tpu.dma_semaphore, #tpu.memory_space<semaphore_mem>>)
    "tpu.region"() ({
      %run_scoped3A = tpu.sem_alloc : memref<!tpu.dma_semaphore, #tpu.memory_space<semaphore_mem>>
      %dma_start3A_24 = arith.constant 0 : i32
      %dma_start3A_25 = tpu.memref_slice %arg2[%mul3A_2, %dma_start3A_24] : memref<64x10112xf32, #tpu.memory_space<hbm>> -> memref<4x10112xf32, #tpu.memory_space<hbm>>
      %dma_start3A_26 = arith.constant 0 : i32
      %dma_start3A_27 = tpu.memref_slice %arg2[%mul3A_2, %dma_start3A_26] : memref<64x10112xf32, #tpu.memory_space<hbm>> -> memref<4x10112xf32, #tpu.memory_space<hbm>>
      tpu.enqueue_dma source(%dma_start3A_27 : memref<4x10112xf32, #tpu.memory_space<hbm>>) target(%arg6 : memref<4x10112xf32, #tpu.memory_space<vmem>>) target_semaphore(%run_scoped3A : memref<!tpu.dma_semaphore, #tpu.memory_space<semaphore_mem>>)
      %dma_wait3A_28 = arith.constant 0 : i32
      %dma_wait3A_29 = tpu.memref_slice %arg2[%mul3A_2, %dma_wait3A_28] : memref<64x10112xf32, #tpu.memory_space<hbm>> -> memref<4x10112xf32, #tpu.memory_space<hbm>>
      %dma_wait3A_30 = arith.constant 0 : i32
      %dma_wait3A_31 = tpu.memref_slice %arg2[%mul3A_2, %dma_wait3A_30] : memref<64x10112xf32, #tpu.memory_space<hbm>> -> memref<4x10112xf32, #tpu.memory_space<hbm>>
      tpu.wait_dma2 semaphore(%run_scoped3A : memref<!tpu.dma_semaphore, #tpu.memory_space<semaphore_mem>>) src(%dma_wait3A_31 : memref<4x10112xf32, #tpu.memory_space<hbm>>) dst(%arg6 : memref<4x10112xf32, #tpu.memory_space<vmem>>)
      tpu.yield
    }) : () -> ()
    %broadcast_in_dim3A = arith.constant 0.000000e+00 : f32
    %broadcast_in_dim3A_7 = vector.broadcast %broadcast_in_dim3A : f32 to vector<16xf32>
    %scan3A = arith.constant 0 : i32
    %scan3A_8 = arith.constant 0 : i32
    %scan3A_9 = arith.constant 632 : i32
    %scan3A_10 = arith.addi %scan3A_8, %scan3A_9 : i32
    %scan3A_11 = arith.constant 1 : i32
    scf.for %scan3A_24 = %scan3A_8 to %scan3A_10 step %scan3A_11  : i32 {
      %mul3A_25 = arith.constant 16 : i32
      %mul3A_26 = arith.muli %scan3A_24, %mul3A_25 : i32
      %swap3A = arith.constant 0 : i32
      %swap3A_27 = arith.index_cast %swap3A : i32 to index
      %swap3A_28 = arith.index_cast %mul3A_26 : i32 to index
      %swap3A_29 = tpu.vector_load %arg7[%swap3A_27, %swap3A_28] {strides = array<i32>} : memref<4x10112xf32, #tpu.memory_space<vmem>>, vector<16xf32>,
      tpu.vector_store %arg7[%swap3A_27, %swap3A_28], %broadcast_in_dim3A_7 {strides = array<i32>} : memref<4x10112xf32, #tpu.memory_space<vmem>>, vector<16xf32>,
      %mul3A_30 = arith.constant 16 : i32
      %mul3A_31 = arith.muli %scan3A_24, %mul3A_30 : i32
      %swap3A_32 = arith.constant 1 : i32
      %swap3A_33 = arith.index_cast %swap3A_32 : i32 to index
      %swap3A_34 = arith.index_cast %mul3A_31 : i32 to index
      %swap3A_35 = tpu.vector_load %arg7[%swap3A_33, %swap3A_34] {strides = array<i32>} : memref<4x10112xf32, #tpu.memory_space<vmem>>, vector<16xf32>,
      tpu.vector_store %arg7[%swap3A_33, %swap3A_34], %broadcast_in_dim3A_7 {strides = array<i32>} : memref<4x10112xf32, #tpu.memory_space<vmem>>, vector<16xf32>,
      %mul3A_36 = arith.constant 16 : i32
      %mul3A_37 = arith.muli %scan3A_24, %mul3A_36 : i32
      %swap3A_38 = arith.constant 2 : i32
      %swap3A_39 = arith.index_cast %swap3A_38 : i32 to index
      %swap3A_40 = arith.index_cast %mul3A_37 : i32 to index
      %swap3A_41 = tpu.vector_load %arg7[%swap3A_39, %swap3A_40] {strides = array<i32>} : memref<4x10112xf32, #tpu.memory_space<vmem>>, vector<16xf32>,
      tpu.vector_store %arg7[%swap3A_39, %swap3A_40], %broadcast_in_dim3A_7 {strides = array<i32>} : memref<4x10112xf32, #tpu.memory_space<vmem>>, vector<16xf32>,
      %mul3A_42 = arith.constant 16 : i32
      %mul3A_43 = arith.muli %scan3A_24, %mul3A_42 : i32
      %swap3A_44 = arith.constant 3 : i32
      %swap3A_45 = arith.index_cast %swap3A_44 : i32 to index
      %swap3A_46 = arith.index_cast %mul3A_43 : i32 to index
      %swap3A_47 = tpu.vector_load %arg7[%swap3A_45, %swap3A_46] {strides = array<i32>} : memref<4x10112xf32, #tpu.memory_space<vmem>>, vector<16xf32>,
      tpu.vector_store %arg7[%swap3A_45, %swap3A_46], %broadcast_in_dim3A_7 {strides = array<i32>} : memref<4x10112xf32, #tpu.memory_space<vmem>>, vector<16xf32>,
    }
    %scan3A_12 = arith.constant 632 : i32
    %scan3A_13 = arith.constant 0 : i32
    %scan3A_14 = arith.constant 0 : i32
    %scan3A_15 = arith.constant 10 : i32
    %scan3A_16 = arith.addi %scan3A_14, %scan3A_15 : i32
    %scan3A_17 = arith.constant 1 : i32
    scf.for %scan3A_24 = %scan3A_14 to %scan3A_16 step %scan3A_17  : i32 {
      %mul3A_25 = arith.constant 2 : i32
      %mul3A_26 = arith.muli %mul3A_25, %scan3A_24 : i32
      %add3A_27 = arith.constant 1 : i32
      %add3A_28 = arith.addi %mul3A_26, %add3A_27 : i32
      %min3A = arith.constant 19 : i32
      %min3A_29 = arith.minsi %add3A_28, %min3A : i32
      %mul3A_30 = arith.constant 8192 : i32
      %mul3A_31 = arith.muli %min3A_29, %mul3A_30 : i32
      %add3A_32 = arith.addi %mul3A_0, %mul3A_31 : i32
      %dma_start3A_33 = tpu.memref_slice %arg3[%add3A_32] : memref<327680xi32, #tpu.memory_space<hbm>> -> memref<8192xi32, #tpu.memory_space<hbm>>
      %dma_start3A_34 = tpu.memref_slice %arg3[%add3A_32] : memref<327680xi32, #tpu.memory_space<hbm>> -> memref<8192xi32, #tpu.memory_space<hbm>>
      tpu.enqueue_dma source(%dma_start3A_34 : memref<8192xi32, #tpu.memory_space<hbm>>) target(%arg9 : memref<8192xi32, #tpu.memory_space<vmem>>) target_semaphore(%arg13 : memref<!tpu.dma_semaphore, #tpu.memory_space<semaphore_mem>>)
      %dma_start3A_35 = tpu.memref_slice %arg4[%add3A_32] : memref<327680xi32, #tpu.memory_space<hbm>> -> memref<8192xi32, #tpu.memory_space<hbm>>
      %dma_start3A_36 = tpu.memref_slice %arg4[%add3A_32] : memref<327680xi32, #tpu.memory_space<hbm>> -> memref<8192xi32, #tpu.memory_space<hbm>>
      tpu.enqueue_dma source(%dma_start3A_36 : memref<8192xi32, #tpu.memory_space<hbm>>) target(%arg11 : memref<8192xi32, #tpu.memory_space<vmem>>) target_semaphore(%arg15 : memref<!tpu.dma_semaphore, #tpu.memory_space<semaphore_mem>>)
      %mul3A_37 = arith.constant 8192 : i32
      %mul3A_38 = arith.muli %mul3A_26, %mul3A_37 : i32
      %add3A_39 = arith.addi %mul3A_0, %mul3A_38 : i32
      %dma_wait3A_40 = tpu.memref_slice %arg3[%add3A_39] : memref<327680xi32, #tpu.memory_space<hbm>> -> memref<8192xi32, #tpu.memory_space<hbm>>
      %dma_wait3A_41 = tpu.memref_slice %arg3[%add3A_39] : memref<327680xi32, #tpu.memory_space<hbm>> -> memref<8192xi32, #tpu.memory_space<hbm>>
      tpu.wait_dma2 semaphore(%arg12 : memref<!tpu.dma_semaphore, #tpu.memory_space<semaphore_mem>>) src(%dma_wait3A_41 : memref<8192xi32, #tpu.memory_space<hbm>>) dst(%arg8 : memref<8192xi32, #tpu.memory_space<vmem>>)
      %dma_wait3A_42 = tpu.memref_slice %arg4[%add3A_39] : memref<327680xi32, #tpu.memory_space<hbm>> -> memref<8192xi32, #tpu.memory_space<hbm>>
      %dma_wait3A_43 = tpu.memref_slice %arg4[%add3A_39] : memref<327680xi32, #tpu.memory_space<hbm>> -> memref<8192xi32, #tpu.memory_space<hbm>>
      tpu.wait_dma2 semaphore(%arg14 : memref<!tpu.dma_semaphore, #tpu.memory_space<semaphore_mem>>) src(%dma_wait3A_43 : memref<8192xi32, #tpu.memory_space<hbm>>) dst(%arg10 : memref<8192xi32, #tpu.memory_space<vmem>>)
      %scan3A_44 = arith.constant 0 : i32
      %scan3A_45 = arith.constant 0 : i32
      %scan3A_46 = arith.constant 128 : i32
      %scan3A_47 = arith.addi %scan3A_45, %scan3A_46 : i32
      %scan3A_48 = arith.constant 1 : i32
      scf.for %scan3A_76 = %scan3A_45 to %scan3A_47 step %scan3A_48  : i32 {
        %mul3A_77 = arith.constant 4 : i32
        %mul3A_78 = arith.muli %mul3A_77, %scan3A_76 : i32
        %add3A_79 = arith.constant 0 : i32
        %add3A_80 = arith.addi %mul3A_78, %add3A_79 : i32
        %mul3A_81 = arith.constant 16 : i32
        %mul3A_82 = arith.muli %add3A_80, %mul3A_81 : i32
        %get3A = arith.index_cast %mul3A_82 : i32 to index
        %get3A_83 = tpu.vector_load %arg8[%get3A] {strides = array<i32>} : memref<8192xi32, #tpu.memory_space<vmem>>, vector<16xi32>,
        %mul3A_84 = arith.constant 4 : i32
        %mul3A_85 = arith.muli %mul3A_84, %scan3A_76 : i32
        %add3A_86 = arith.constant 1 : i32
        %add3A_87 = arith.addi %mul3A_85, %add3A_86 : i32
        %mul3A_88 = arith.constant 16 : i32
        %mul3A_89 = arith.muli %add3A_87, %mul3A_88 : i32
        %get3A_90 = arith.index_cast %mul3A_89 : i32 to index
        %get3A_91 = tpu.vector_load %arg8[%get3A_90] {strides = array<i32>} : memref<8192xi32, #tpu.memory_space<vmem>>, vector<16xi32>,
        %mul3A_92 = arith.constant 4 : i32
        %mul3A_93 = arith.muli %mul3A_92, %scan3A_76 : i32
        %add3A_94 = arith.constant 2 : i32
        %add3A_95 = arith.addi %mul3A_93, %add3A_94 : i32
        %mul3A_96 = arith.constant 16 : i32
        %mul3A_97 = arith.muli %add3A_95, %mul3A_96 : i32
        %get3A_98 = arith.index_cast %mul3A_97 : i32 to index
        %get3A_99 = tpu.vector_load %arg8[%get3A_98] {strides = array<i32>} : memref<8192xi32, #tpu.memory_space<vmem>>, vector<16xi32>,
        %mul3A_100 = arith.constant 4 : i32
        %mul3A_101 = arith.muli %mul3A_100, %scan3A_76 : i32
        %add3A_102 = arith.constant 3 : i32
        %add3A_103 = arith.addi %mul3A_101, %add3A_102 : i32
        %mul3A_104 = arith.constant 16 : i32
        %mul3A_105 = arith.muli %add3A_103, %mul3A_104 : i32
        %get3A_106 = arith.index_cast %mul3A_105 : i32 to index
        %get3A_107 = tpu.vector_load %arg8[%get3A_106] {strides = array<i32>} : memref<8192xi32, #tpu.memory_space<vmem>>, vector<16xi32>,
        %mul3A_108 = arith.constant 4 : i32
        %mul3A_109 = arith.muli %mul3A_108, %scan3A_76 : i32
        %add3A_110 = arith.constant 0 : i32
        %add3A_111 = arith.addi %mul3A_109, %add3A_110 : i32
        %mul3A_112 = arith.constant 16 : i32
        %mul3A_113 = arith.muli %add3A_111, %mul3A_112 : i32
        %get3A_114 = arith.index_cast %mul3A_113 : i32 to index
        %get3A_115 = tpu.vector_load %arg10[%get3A_114] {strides = array<i32>} : memref<8192xi32, #tpu.memory_space<vmem>>, vector<16xi32>,
        %mul3A_116 = arith.constant 4 : i32
        %mul3A_117 = arith.muli %mul3A_116, %scan3A_76 : i32
        %add3A_118 = arith.constant 1 : i32
        %add3A_119 = arith.addi %mul3A_117, %add3A_118 : i32
        %mul3A_120 = arith.constant 16 : i32
        %mul3A_121 = arith.muli %add3A_119, %mul3A_120 : i32
        %get3A_122 = arith.index_cast %mul3A_121 : i32 to index
        %get3A_123 = tpu.vector_load %arg10[%get3A_122] {strides = array<i32>} : memref<8192xi32, #tpu.memory_space<vmem>>, vector<16xi32>,
        %mul3A_124 = arith.constant 4 : i32
        %mul3A_125 = arith.muli %mul3A_124, %scan3A_76 : i32
        %add3A_126 = arith.constant 2 : i32
        %add3A_127 = arith.addi %mul3A_125, %add3A_126 : i32
        %mul3A_128 = arith.constant 16 : i32
        %mul3A_129 = arith.muli %add3A_127, %mul3A_128 : i32
        %get3A_130 = arith.index_cast %mul3A_129 : i32 to index
        %get3A_131 = tpu.vector_load %arg10[%get3A_130] {strides = array<i32>} : memref<8192xi32, #tpu.memory_space<vmem>>, vector<16xi32>,
        %mul3A_132 = arith.constant 4 : i32
        %mul3A_133 = arith.muli %mul3A_132, %scan3A_76 : i32
        %add3A_134 = arith.constant 3 : i32
        %add3A_135 = arith.addi %mul3A_133, %add3A_134 : i32
        %mul3A_136 = arith.constant 16 : i32
        %mul3A_137 = arith.muli %add3A_135, %mul3A_136 : i32
        %get3A_138 = arith.index_cast %mul3A_137 : i32 to index
        %get3A_139 = tpu.vector_load %arg10[%get3A_138] {strides = array<i32>} : memref<8192xi32, #tpu.memory_space<vmem>>, vector<16xi32>,
        %broadcast_in_dim3A_140 = arith.constant 0 : i32
        %broadcast_in_dim3A_141 = vector.broadcast %broadcast_in_dim3A_140 : i32 to vector<16xi32>
        %gather3A = tpu.vector_load_idx %arg6[%broadcast_in_dim3A_141, %get3A_83] : memref<4x10112xf32, #tpu.memory_space<vmem>>[vector<16xi32>, vector<16xi32>], vector<16xf32>,
        %broadcast_in_dim3A_142 = arith.constant 1 : i32
        %broadcast_in_dim3A_143 = vector.broadcast %broadcast_in_dim3A_142 : i32 to vector<16xi32>
        %gather3A_144 = tpu.vector_load_idx %arg6[%broadcast_in_dim3A_143, %get3A_83] : memref<4x10112xf32, #tpu.memory_space<vmem>>[vector<16xi32>, vector<16xi32>], vector<16xf32>,
        %broadcast_in_dim3A_145 = arith.constant 2 : i32
        %broadcast_in_dim3A_146 = vector.broadcast %broadcast_in_dim3A_145 : i32 to vector<16xi32>
        %gather3A_147 = tpu.vector_load_idx %arg6[%broadcast_in_dim3A_146, %get3A_83] : memref<4x10112xf32, #tpu.memory_space<vmem>>[vector<16xi32>, vector<16xi32>], vector<16xf32>,
        %broadcast_in_dim3A_148 = arith.constant 3 : i32
        %broadcast_in_dim3A_149 = vector.broadcast %broadcast_in_dim3A_148 : i32 to vector<16xi32>
        %gather3A_150 = tpu.vector_load_idx %arg6[%broadcast_in_dim3A_149, %get3A_83] : memref<4x10112xf32, #tpu.memory_space<vmem>>[vector<16xi32>, vector<16xi32>], vector<16xf32>,
        %broadcast_in_dim3A_151 = arith.constant 0 : i32
        %broadcast_in_dim3A_152 = vector.broadcast %broadcast_in_dim3A_151 : i32 to vector<16xi32>
        %gather3A_153 = tpu.vector_load_idx %arg6[%broadcast_in_dim3A_152, %get3A_91] : memref<4x10112xf32, #tpu.memory_space<vmem>>[vector<16xi32>, vector<16xi32>], vector<16xf32>,
        %broadcast_in_dim3A_154 = arith.constant 1 : i32
        %broadcast_in_dim3A_155 = vector.broadcast %broadcast_in_dim3A_154 : i32 to vector<16xi32>
        %gather3A_156 = tpu.vector_load_idx %arg6[%broadcast_in_dim3A_155, %get3A_91] : memref<4x10112xf32, #tpu.memory_space<vmem>>[vector<16xi32>, vector<16xi32>], vector<16xf32>,
        %broadcast_in_dim3A_157 = arith.constant 2 : i32
        %broadcast_in_dim3A_158 = vector.broadcast %broadcast_in_dim3A_157 : i32 to vector<16xi32>
        %gather3A_159 = tpu.vector_load_idx %arg6[%broadcast_in_dim3A_158, %get3A_91] : memref<4x10112xf32, #tpu.memory_space<vmem>>[vector<16xi32>, vector<16xi32>], vector<16xf32>,
        %broadcast_in_dim3A_160 = arith.constant 3 : i32
        %broadcast_in_dim3A_161 = vector.broadcast %broadcast_in_dim3A_160 : i32 to vector<16xi32>
        %gather3A_162 = tpu.vector_load_idx %arg6[%broadcast_in_dim3A_161, %get3A_91] : memref<4x10112xf32, #tpu.memory_space<vmem>>[vector<16xi32>, vector<16xi32>], vector<16xf32>,
        %broadcast_in_dim3A_163 = arith.constant 0 : i32
        %broadcast_in_dim3A_164 = vector.broadcast %broadcast_in_dim3A_163 : i32 to vector<16xi32>
        %gather3A_165 = tpu.vector_load_idx %arg6[%broadcast_in_dim3A_164, %get3A_99] : memref<4x10112xf32, #tpu.memory_space<vmem>>[vector<16xi32>, vector<16xi32>], vector<16xf32>,
        %broadcast_in_dim3A_166 = arith.constant 1 : i32
        %broadcast_in_dim3A_167 = vector.broadcast %broadcast_in_dim3A_166 : i32 to vector<16xi32>
        %gather3A_168 = tpu.vector_load_idx %arg6[%broadcast_in_dim3A_167, %get3A_99] : memref<4x10112xf32, #tpu.memory_space<vmem>>[vector<16xi32>, vector<16xi32>], vector<16xf32>,
        %broadcast_in_dim3A_169 = arith.constant 2 : i32
        %broadcast_in_dim3A_170 = vector.broadcast %broadcast_in_dim3A_169 : i32 to vector<16xi32>
        %gather3A_171 = tpu.vector_load_idx %arg6[%broadcast_in_dim3A_170, %get3A_99] : memref<4x10112xf32, #tpu.memory_space<vmem>>[vector<16xi32>, vector<16xi32>], vector<16xf32>,
        %broadcast_in_dim3A_172 = arith.constant 3 : i32
        %broadcast_in_dim3A_173 = vector.broadcast %broadcast_in_dim3A_172 : i32 to vector<16xi32>
        %gather3A_174 = tpu.vector_load_idx %arg6[%broadcast_in_dim3A_173, %get3A_99] : memref<4x10112xf32, #tpu.memory_space<vmem>>[vector<16xi32>, vector<16xi32>], vector<16xf32>,
        %broadcast_in_dim3A_175 = arith.constant 0 : i32
        %broadcast_in_dim3A_176 = vector.broadcast %broadcast_in_dim3A_175 : i32 to vector<16xi32>
        %gather3A_177 = tpu.vector_load_idx %arg6[%broadcast_in_dim3A_176, %get3A_107] : memref<4x10112xf32, #tpu.memory_space<vmem>>[vector<16xi32>, vector<16xi32>], vector<16xf32>,
        %broadcast_in_dim3A_178 = arith.constant 1 : i32
        %broadcast_in_dim3A_179 = vector.broadcast %broadcast_in_dim3A_178 : i32 to vector<16xi32>
        %gather3A_180 = tpu.vector_load_idx %arg6[%broadcast_in_dim3A_179, %get3A_107] : memref<4x10112xf32, #tpu.memory_space<vmem>>[vector<16xi32>, vector<16xi32>], vector<16xf32>,
        %broadcast_in_dim3A_181 = arith.constant 2 : i32
        %broadcast_in_dim3A_182 = vector.broadcast %broadcast_in_dim3A_181 : i32 to vector<16xi32>
        %gather3A_183 = tpu.vector_load_idx %arg6[%broadcast_in_dim3A_182, %get3A_107] : memref<4x10112xf32, #tpu.memory_space<vmem>>[vector<16xi32>, vector<16xi32>], vector<16xf32>,
        %broadcast_in_dim3A_184 = arith.constant 3 : i32
        %broadcast_in_dim3A_185 = vector.broadcast %broadcast_in_dim3A_184 : i32 to vector<16xi32>
        %gather3A_186 = tpu.vector_load_idx %arg6[%broadcast_in_dim3A_185, %get3A_107] : memref<4x10112xf32, #tpu.memory_space<vmem>>[vector<16xi32>, vector<16xi32>], vector<16xf32>,
        %broadcast_in_dim3A_187 = arith.constant 0 : i32
        %broadcast_in_dim3A_188 = vector.broadcast %broadcast_in_dim3A_187 : i32 to vector<16xi32>
        tpu.vector_store_idx %arg7[%broadcast_in_dim3A_188, %get3A_115], %gather3A {add = true} : memref<4x10112xf32, #tpu.memory_space<vmem>>[vector<16xi32>, vector<16xi32>], vector<16xf32>,
        %broadcast_in_dim3A_189 = arith.constant 1 : i32
        %broadcast_in_dim3A_190 = vector.broadcast %broadcast_in_dim3A_189 : i32 to vector<16xi32>
        tpu.vector_store_idx %arg7[%broadcast_in_dim3A_190, %get3A_115], %gather3A_144 {add = true} : memref<4x10112xf32, #tpu.memory_space<vmem>>[vector<16xi32>, vector<16xi32>], vector<16xf32>,
        %broadcast_in_dim3A_191 = arith.constant 2 : i32
        %broadcast_in_dim3A_192 = vector.broadcast %broadcast_in_dim3A_191 : i32 to vector<16xi32>
        tpu.vector_store_idx %arg7[%broadcast_in_dim3A_192, %get3A_115], %gather3A_147 {add = true} : memref<4x10112xf32, #tpu.memory_space<vmem>>[vector<16xi32>, vector<16xi32>], vector<16xf32>,
        %broadcast_in_dim3A_193 = arith.constant 3 : i32
        %broadcast_in_dim3A_194 = vector.broadcast %broadcast_in_dim3A_193 : i32 to vector<16xi32>
        tpu.vector_store_idx %arg7[%broadcast_in_dim3A_194, %get3A_115], %gather3A_150 {add = true} : memref<4x10112xf32, #tpu.memory_space<vmem>>[vector<16xi32>, vector<16xi32>], vector<16xf32>,
        %broadcast_in_dim3A_195 = arith.constant 0 : i32
        %broadcast_in_dim3A_196 = vector.broadcast %broadcast_in_dim3A_195 : i32 to vector<16xi32>
        tpu.vector_store_idx %arg7[%broadcast_in_dim3A_196, %get3A_123], %gather3A_153 {add = true} : memref<4x10112xf32, #tpu.memory_space<vmem>>[vector<16xi32>, vector<16xi32>], vector<16xf32>,
        %broadcast_in_dim3A_197 = arith.constant 1 : i32
        %broadcast_in_dim3A_198 = vector.broadcast %broadcast_in_dim3A_197 : i32 to vector<16xi32>
        tpu.vector_store_idx %arg7[%broadcast_in_dim3A_198, %get3A_123], %gather3A_156 {add = true} : memref<4x10112xf32, #tpu.memory_space<vmem>>[vector<16xi32>, vector<16xi32>], vector<16xf32>,
        %broadcast_in_dim3A_199 = arith.constant 2 : i32
        %broadcast_in_dim3A_200 = vector.broadcast %broadcast_in_dim3A_199 : i32 to vector<16xi32>
        tpu.vector_store_idx %arg7[%broadcast_in_dim3A_200, %get3A_123], %gather3A_159 {add = true} : memref<4x10112xf32, #tpu.memory_space<vmem>>[vector<16xi32>, vector<16xi32>], vector<16xf32>,
        %broadcast_in_dim3A_201 = arith.constant 3 : i32
        %broadcast_in_dim3A_202 = vector.broadcast %broadcast_in_dim3A_201 : i32 to vector<16xi32>
        tpu.vector_store_idx %arg7[%broadcast_in_dim3A_202, %get3A_123], %gather3A_162 {add = true} : memref<4x10112xf32, #tpu.memory_space<vmem>>[vector<16xi32>, vector<16xi32>], vector<16xf32>,
        %broadcast_in_dim3A_203 = arith.constant 0 : i32
        %broadcast_in_dim3A_204 = vector.broadcast %broadcast_in_dim3A_203 : i32 to vector<16xi32>
        tpu.vector_store_idx %arg7[%broadcast_in_dim3A_204, %get3A_131], %gather3A_165 {add = true} : memref<4x10112xf32, #tpu.memory_space<vmem>>[vector<16xi32>, vector<16xi32>], vector<16xf32>,
        %broadcast_in_dim3A_205 = arith.constant 1 : i32
        %broadcast_in_dim3A_206 = vector.broadcast %broadcast_in_dim3A_205 : i32 to vector<16xi32>
        tpu.vector_store_idx %arg7[%broadcast_in_dim3A_206, %get3A_131], %gather3A_168 {add = true} : memref<4x10112xf32, #tpu.memory_space<vmem>>[vector<16xi32>, vector<16xi32>], vector<16xf32>,
        %broadcast_in_dim3A_207 = arith.constant 2 : i32
        %broadcast_in_dim3A_208 = vector.broadcast %broadcast_in_dim3A_207 : i32 to vector<16xi32>
        tpu.vector_store_idx %arg7[%broadcast_in_dim3A_208, %get3A_131], %gather3A_171 {add = true} : memref<4x10112xf32, #tpu.memory_space<vmem>>[vector<16xi32>, vector<16xi32>], vector<16xf32>,
        %broadcast_in_dim3A_209 = arith.constant 3 : i32
        %broadcast_in_dim3A_210 = vector.broadcast %broadcast_in_dim3A_209 : i32 to vector<16xi32>
        tpu.vector_store_idx %arg7[%broadcast_in_dim3A_210, %get3A_131], %gather3A_174 {add = true} : memref<4x10112xf32, #tpu.memory_space<vmem>>[vector<16xi32>, vector<16xi32>], vector<16xf32>,
        %broadcast_in_dim3A_211 = arith.constant 0 : i32
        %broadcast_in_dim3A_212 = vector.broadcast %broadcast_in_dim3A_211 : i32 to vector<16xi32>
        tpu.vector_store_idx %arg7[%broadcast_in_dim3A_212, %get3A_139], %gather3A_177 {add = true} : memref<4x10112xf32, #tpu.memory_space<vmem>>[vector<16xi32>, vector<16xi32>], vector<16xf32>,
        %broadcast_in_dim3A_213 = arith.constant 1 : i32
        %broadcast_in_dim3A_214 = vector.broadcast %broadcast_in_dim3A_213 : i32 to vector<16xi32>
        tpu.vector_store_idx %arg7[%broadcast_in_dim3A_214, %get3A_139], %gather3A_180 {add = true} : memref<4x10112xf32, #tpu.memory_space<vmem>>[vector<16xi32>, vector<16xi32>], vector<16xf32>,
        %broadcast_in_dim3A_215 = arith.constant 2 : i32
        %broadcast_in_dim3A_216 = vector.broadcast %broadcast_in_dim3A_215 : i32 to vector<16xi32>
        tpu.vector_store_idx %arg7[%broadcast_in_dim3A_216, %get3A_139], %gather3A_183 {add = true} : memref<4x10112xf32, #tpu.memory_space<vmem>>[vector<16xi32>, vector<16xi32>], vector<16xf32>,
        %broadcast_in_dim3A_217 = arith.constant 3 : i32
        %broadcast_in_dim3A_218 = vector.broadcast %broadcast_in_dim3A_217 : i32 to vector<16xi32>
        tpu.vector_store_idx %arg7[%broadcast_in_dim3A_218, %get3A_139], %gather3A_186 {add = true} : memref<4x10112xf32, #tpu.memory_space<vmem>>[vector<16xi32>, vector<16xi32>], vector<16xf32>,
      }
      %scan3A_49 = arith.constant 128 : i32
      %add3A_50 = arith.constant 2 : i32
      %add3A_51 = arith.addi %mul3A_26, %add3A_50 : i32
      %min3A_52 = arith.constant 19 : i32
      %min3A_53 = arith.minsi %add3A_51, %min3A_52 : i32
      %mul3A_54 = arith.constant 8192 : i32
      %mul3A_55 = arith.muli %min3A_53, %mul3A_54 : i32
      %add3A_56 = arith.addi %mul3A_0, %mul3A_55 : i32
      %dma_start3A_57 = tpu.memref_slice %arg3[%add3A_56] : memref<327680xi32, #tpu.memory_space<hbm>> -> memref<8192xi32, #tpu.memory_space<hbm>>
      %dma_start3A_58 = tpu.memref_slice %arg3[%add3A_56] : memref<327680xi32, #tpu.memory_space<hbm>> -> memref<8192xi32, #tpu.memory_space<hbm>>
      tpu.enqueue_dma source(%dma_start3A_58 : memref<8192xi32, #tpu.memory_space<hbm>>) target(%arg8 : memref<8192xi32, #tpu.memory_space<vmem>>) target_semaphore(%arg12 : memref<!tpu.dma_semaphore, #tpu.memory_space<semaphore_mem>>)
      %dma_start3A_59 = tpu.memref_slice %arg4[%add3A_56] : memref<327680xi32, #tpu.memory_space<hbm>> -> memref<8192xi32, #tpu.memory_space<hbm>>
      %dma_start3A_60 = tpu.memref_slice %arg4[%add3A_56] : memref<327680xi32, #tpu.memory_space<hbm>> -> memref<8192xi32, #tpu.memory_space<hbm>>
      tpu.enqueue_dma source(%dma_start3A_60 : memref<8192xi32, #tpu.memory_space<hbm>>) target(%arg10 : memref<8192xi32, #tpu.memory_space<vmem>>) target_semaphore(%arg14 : memref<!tpu.dma_semaphore, #tpu.memory_space<semaphore_mem>>)
      %add3A_61 = arith.constant 1 : i32
      %add3A_62 = arith.addi %mul3A_26, %add3A_61 : i32
      %mul3A_63 = arith.constant 8192 : i32
      %mul3A_64 = arith.muli %add3A_62, %mul3A_63 : i32
      %add3A_65 = arith.addi %mul3A_0, %mul3A_64 : i32
      %dma_wait3A_66 = tpu.memref_slice %arg3[%add3A_65] : memref<327680xi32, #tpu.memory_space<hbm>> -> memref<8192xi32, #tpu.memory_space<hbm>>
      %dma_wait3A_67 = tpu.memref_slice %arg3[%add3A_65] : memref<327680xi32, #tpu.memory_space<hbm>> -> memref<8192xi32, #tpu.memory_space<hbm>>
      tpu.wait_dma2 semaphore(%arg13 : memref<!tpu.dma_semaphore, #tpu.memory_space<semaphore_mem>>) src(%dma_wait3A_67 : memref<8192xi32, #tpu.memory_space<hbm>>) dst(%arg9 : memref<8192xi32, #tpu.memory_space<vmem>>)
      %dma_wait3A_68 = tpu.memref_slice %arg4[%add3A_65] : memref<327680xi32, #tpu.memory_space<hbm>> -> memref<8192xi32, #tpu.memory_space<hbm>>
      %dma_wait3A_69 = tpu.memref_slice %arg4[%add3A_65] : memref<327680xi32, #tpu.memory_space<hbm>> -> memref<8192xi32, #tpu.memory_space<hbm>>
      tpu.wait_dma2 semaphore(%arg15 : memref<!tpu.dma_semaphore, #tpu.memory_space<semaphore_mem>>) src(%dma_wait3A_69 : memref<8192xi32, #tpu.memory_space<hbm>>) dst(%arg11 : memref<8192xi32, #tpu.memory_space<vmem>>)
      %scan3A_70 = arith.constant 0 : i32
      %scan3A_71 = arith.constant 0 : i32
      %scan3A_72 = arith.constant 128 : i32
      %scan3A_73 = arith.addi %scan3A_71, %scan3A_72 : i32
      %scan3A_74 = arith.constant 1 : i32
      scf.for %scan3A_76 = %scan3A_71 to %scan3A_73 step %scan3A_74  : i32 {
        %mul3A_77 = arith.constant 4 : i32
        %mul3A_78 = arith.muli %mul3A_77, %scan3A_76 : i32
        %add3A_79 = arith.constant 0 : i32
        %add3A_80 = arith.addi %mul3A_78, %add3A_79 : i32
        %mul3A_81 = arith.constant 16 : i32
        %mul3A_82 = arith.muli %add3A_80, %mul3A_81 : i32
        %get3A = arith.index_cast %mul3A_82 : i32 to index
        %get3A_83 = tpu.vector_load %arg9[%get3A] {strides = array<i32>} : memref<8192xi32, #tpu.memory_space<vmem>>, vector<16xi32>,
        %mul3A_84 = arith.constant 4 : i32
        %mul3A_85 = arith.muli %mul3A_84, %scan3A_76 : i32
        %add3A_86 = arith.constant 1 : i32
        %add3A_87 = arith.addi %mul3A_85, %add3A_86 : i32
        %mul3A_88 = arith.constant 16 : i32
        %mul3A_89 = arith.muli %add3A_87, %mul3A_88 : i32
        %get3A_90 = arith.index_cast %mul3A_89 : i32 to index
        %get3A_91 = tpu.vector_load %arg9[%get3A_90] {strides = array<i32>} : memref<8192xi32, #tpu.memory_space<vmem>>, vector<16xi32>,
        %mul3A_92 = arith.constant 4 : i32
        %mul3A_93 = arith.muli %mul3A_92, %scan3A_76 : i32
        %add3A_94 = arith.constant 2 : i32
        %add3A_95 = arith.addi %mul3A_93, %add3A_94 : i32
        %mul3A_96 = arith.constant 16 : i32
        %mul3A_97 = arith.muli %add3A_95, %mul3A_96 : i32
        %get3A_98 = arith.index_cast %mul3A_97 : i32 to index
        %get3A_99 = tpu.vector_load %arg9[%get3A_98] {strides = array<i32>} : memref<8192xi32, #tpu.memory_space<vmem>>, vector<16xi32>,
        %mul3A_100 = arith.constant 4 : i32
        %mul3A_101 = arith.muli %mul3A_100, %scan3A_76 : i32
        %add3A_102 = arith.constant 3 : i32
        %add3A_103 = arith.addi %mul3A_101, %add3A_102 : i32
        %mul3A_104 = arith.constant 16 : i32
        %mul3A_105 = arith.muli %add3A_103, %mul3A_104 : i32
        %get3A_106 = arith.index_cast %mul3A_105 : i32 to index
        %get3A_107 = tpu.vector_load %arg9[%get3A_106] {strides = array<i32>} : memref<8192xi32, #tpu.memory_space<vmem>>, vector<16xi32>,
        %mul3A_108 = arith.constant 4 : i32
        %mul3A_109 = arith.muli %mul3A_108, %scan3A_76 : i32
        %add3A_110 = arith.constant 0 : i32
        %add3A_111 = arith.addi %mul3A_109, %add3A_110 : i32
        %mul3A_112 = arith.constant 16 : i32
        %mul3A_113 = arith.muli %add3A_111, %mul3A_112 : i32
        %get3A_114 = arith.index_cast %mul3A_113 : i32 to index
        %get3A_115 = tpu.vector_load %arg11[%get3A_114] {strides = array<i32>} : memref<8192xi32, #tpu.memory_space<vmem>>, vector<16xi32>,
        %mul3A_116 = arith.constant 4 : i32
        %mul3A_117 = arith.muli %mul3A_116, %scan3A_76 : i32
        %add3A_118 = arith.constant 1 : i32
        %add3A_119 = arith.addi %mul3A_117, %add3A_118 : i32
        %mul3A_120 = arith.constant 16 : i32
        %mul3A_121 = arith.muli %add3A_119, %mul3A_120 : i32
        %get3A_122 = arith.index_cast %mul3A_121 : i32 to index
        %get3A_123 = tpu.vector_load %arg11[%get3A_122] {strides = array<i32>} : memref<8192xi32, #tpu.memory_space<vmem>>, vector<16xi32>,
        %mul3A_124 = arith.constant 4 : i32
        %mul3A_125 = arith.muli %mul3A_124, %scan3A_76 : i32
        %add3A_126 = arith.constant 2 : i32
        %add3A_127 = arith.addi %mul3A_125, %add3A_126 : i32
        %mul3A_128 = arith.constant 16 : i32
        %mul3A_129 = arith.muli %add3A_127, %mul3A_128 : i32
        %get3A_130 = arith.index_cast %mul3A_129 : i32 to index
        %get3A_131 = tpu.vector_load %arg11[%get3A_130] {strides = array<i32>} : memref<8192xi32, #tpu.memory_space<vmem>>, vector<16xi32>,
        %mul3A_132 = arith.constant 4 : i32
        %mul3A_133 = arith.muli %mul3A_132, %scan3A_76 : i32
        %add3A_134 = arith.constant 3 : i32
        %add3A_135 = arith.addi %mul3A_133, %add3A_134 : i32
        %mul3A_136 = arith.constant 16 : i32
        %mul3A_137 = arith.muli %add3A_135, %mul3A_136 : i32
        %get3A_138 = arith.index_cast %mul3A_137 : i32 to index
        %get3A_139 = tpu.vector_load %arg11[%get3A_138] {strides = array<i32>} : memref<8192xi32, #tpu.memory_space<vmem>>, vector<16xi32>,
        %broadcast_in_dim3A_140 = arith.constant 0 : i32
        %broadcast_in_dim3A_141 = vector.broadcast %broadcast_in_dim3A_140 : i32 to vector<16xi32>
        %gather3A = tpu.vector_load_idx %arg6[%broadcast_in_dim3A_141, %get3A_83] : memref<4x10112xf32, #tpu.memory_space<vmem>>[vector<16xi32>, vector<16xi32>], vector<16xf32>,
        %broadcast_in_dim3A_142 = arith.constant 1 : i32
        %broadcast_in_dim3A_143 = vector.broadcast %broadcast_in_dim3A_142 : i32 to vector<16xi32>
        %gather3A_144 = tpu.vector_load_idx %arg6[%broadcast_in_dim3A_143, %get3A_83] : memref<4x10112xf32, #tpu.memory_space<vmem>>[vector<16xi32>, vector<16xi32>], vector<16xf32>,
        %broadcast_in_dim3A_145 = arith.constant 2 : i32
        %broadcast_in_dim3A_146 = vector.broadcast %broadcast_in_dim3A_145 : i32 to vector<16xi32>
        %gather3A_147 = tpu.vector_load_idx %arg6[%broadcast_in_dim3A_146, %get3A_83] : memref<4x10112xf32, #tpu.memory_space<vmem>>[vector<16xi32>, vector<16xi32>], vector<16xf32>,
        %broadcast_in_dim3A_148 = arith.constant 3 : i32
        %broadcast_in_dim3A_149 = vector.broadcast %broadcast_in_dim3A_148 : i32 to vector<16xi32>
        %gather3A_150 = tpu.vector_load_idx %arg6[%broadcast_in_dim3A_149, %get3A_83] : memref<4x10112xf32, #tpu.memory_space<vmem>>[vector<16xi32>, vector<16xi32>], vector<16xf32>,
        %broadcast_in_dim3A_151 = arith.constant 0 : i32
        %broadcast_in_dim3A_152 = vector.broadcast %broadcast_in_dim3A_151 : i32 to vector<16xi32>
        %gather3A_153 = tpu.vector_load_idx %arg6[%broadcast_in_dim3A_152, %get3A_91] : memref<4x10112xf32, #tpu.memory_space<vmem>>[vector<16xi32>, vector<16xi32>], vector<16xf32>,
        %broadcast_in_dim3A_154 = arith.constant 1 : i32
        %broadcast_in_dim3A_155 = vector.broadcast %broadcast_in_dim3A_154 : i32 to vector<16xi32>
        %gather3A_156 = tpu.vector_load_idx %arg6[%broadcast_in_dim3A_155, %get3A_91] : memref<4x10112xf32, #tpu.memory_space<vmem>>[vector<16xi32>, vector<16xi32>], vector<16xf32>,
        %broadcast_in_dim3A_157 = arith.constant 2 : i32
        %broadcast_in_dim3A_158 = vector.broadcast %broadcast_in_dim3A_157 : i32 to vector<16xi32>
        %gather3A_159 = tpu.vector_load_idx %arg6[%broadcast_in_dim3A_158, %get3A_91] : memref<4x10112xf32, #tpu.memory_space<vmem>>[vector<16xi32>, vector<16xi32>], vector<16xf32>,
        %broadcast_in_dim3A_160 = arith.constant 3 : i32
        %broadcast_in_dim3A_161 = vector.broadcast %broadcast_in_dim3A_160 : i32 to vector<16xi32>
        %gather3A_162 = tpu.vector_load_idx %arg6[%broadcast_in_dim3A_161, %get3A_91] : memref<4x10112xf32, #tpu.memory_space<vmem>>[vector<16xi32>, vector<16xi32>], vector<16xf32>,
        %broadcast_in_dim3A_163 = arith.constant 0 : i32
        %broadcast_in_dim3A_164 = vector.broadcast %broadcast_in_dim3A_163 : i32 to vector<16xi32>
        %gather3A_165 = tpu.vector_load_idx %arg6[%broadcast_in_dim3A_164, %get3A_99] : memref<4x10112xf32, #tpu.memory_space<vmem>>[vector<16xi32>, vector<16xi32>], vector<16xf32>,
        %broadcast_in_dim3A_166 = arith.constant 1 : i32
        %broadcast_in_dim3A_167 = vector.broadcast %broadcast_in_dim3A_166 : i32 to vector<16xi32>
        %gather3A_168 = tpu.vector_load_idx %arg6[%broadcast_in_dim3A_167, %get3A_99] : memref<4x10112xf32, #tpu.memory_space<vmem>>[vector<16xi32>, vector<16xi32>], vector<16xf32>,
        %broadcast_in_dim3A_169 = arith.constant 2 : i32
        %broadcast_in_dim3A_170 = vector.broadcast %broadcast_in_dim3A_169 : i32 to vector<16xi32>
        %gather3A_171 = tpu.vector_load_idx %arg6[%broadcast_in_dim3A_170, %get3A_99] : memref<4x10112xf32, #tpu.memory_space<vmem>>[vector<16xi32>, vector<16xi32>], vector<16xf32>,
        %broadcast_in_dim3A_172 = arith.constant 3 : i32
        %broadcast_in_dim3A_173 = vector.broadcast %broadcast_in_dim3A_172 : i32 to vector<16xi32>
        %gather3A_174 = tpu.vector_load_idx %arg6[%broadcast_in_dim3A_173, %get3A_99] : memref<4x10112xf32, #tpu.memory_space<vmem>>[vector<16xi32>, vector<16xi32>], vector<16xf32>,
        %broadcast_in_dim3A_175 = arith.constant 0 : i32
        %broadcast_in_dim3A_176 = vector.broadcast %broadcast_in_dim3A_175 : i32 to vector<16xi32>
        %gather3A_177 = tpu.vector_load_idx %arg6[%broadcast_in_dim3A_176, %get3A_107] : memref<4x10112xf32, #tpu.memory_space<vmem>>[vector<16xi32>, vector<16xi32>], vector<16xf32>,
        %broadcast_in_dim3A_178 = arith.constant 1 : i32
        %broadcast_in_dim3A_179 = vector.broadcast %broadcast_in_dim3A_178 : i32 to vector<16xi32>
        %gather3A_180 = tpu.vector_load_idx %arg6[%broadcast_in_dim3A_179, %get3A_107] : memref<4x10112xf32, #tpu.memory_space<vmem>>[vector<16xi32>, vector<16xi32>], vector<16xf32>,
        %broadcast_in_dim3A_181 = arith.constant 2 : i32
        %broadcast_in_dim3A_182 = vector.broadcast %broadcast_in_dim3A_181 : i32 to vector<16xi32>
        %gather3A_183 = tpu.vector_load_idx %arg6[%broadcast_in_dim3A_182, %get3A_107] : memref<4x10112xf32, #tpu.memory_space<vmem>>[vector<16xi32>, vector<16xi32>], vector<16xf32>,
        %broadcast_in_dim3A_184 = arith.constant 3 : i32
        %broadcast_in_dim3A_185 = vector.broadcast %broadcast_in_dim3A_184 : i32 to vector<16xi32>
        %gather3A_186 = tpu.vector_load_idx %arg6[%broadcast_in_dim3A_185, %get3A_107] : memref<4x10112xf32, #tpu.memory_space<vmem>>[vector<16xi32>, vector<16xi32>], vector<16xf32>,
        %broadcast_in_dim3A_187 = arith.constant 0 : i32
        %broadcast_in_dim3A_188 = vector.broadcast %broadcast_in_dim3A_187 : i32 to vector<16xi32>
        tpu.vector_store_idx %arg7[%broadcast_in_dim3A_188, %get3A_115], %gather3A {add = true} : memref<4x10112xf32, #tpu.memory_space<vmem>>[vector<16xi32>, vector<16xi32>], vector<16xf32>,
        %broadcast_in_dim3A_189 = arith.constant 1 : i32
        %broadcast_in_dim3A_190 = vector.broadcast %broadcast_in_dim3A_189 : i32 to vector<16xi32>
        tpu.vector_store_idx %arg7[%broadcast_in_dim3A_190, %get3A_115], %gather3A_144 {add = true} : memref<4x10112xf32, #tpu.memory_space<vmem>>[vector<16xi32>, vector<16xi32>], vector<16xf32>,
        %broadcast_in_dim3A_191 = arith.constant 2 : i32
        %broadcast_in_dim3A_192 = vector.broadcast %broadcast_in_dim3A_191 : i32 to vector<16xi32>
        tpu.vector_store_idx %arg7[%broadcast_in_dim3A_192, %get3A_115], %gather3A_147 {add = true} : memref<4x10112xf32, #tpu.memory_space<vmem>>[vector<16xi32>, vector<16xi32>], vector<16xf32>,
        %broadcast_in_dim3A_193 = arith.constant 3 : i32
        %broadcast_in_dim3A_194 = vector.broadcast %broadcast_in_dim3A_193 : i32 to vector<16xi32>
        tpu.vector_store_idx %arg7[%broadcast_in_dim3A_194, %get3A_115], %gather3A_150 {add = true} : memref<4x10112xf32, #tpu.memory_space<vmem>>[vector<16xi32>, vector<16xi32>], vector<16xf32>,
        %broadcast_in_dim3A_195 = arith.constant 0 : i32
        %broadcast_in_dim3A_196 = vector.broadcast %broadcast_in_dim3A_195 : i32 to vector<16xi32>
        tpu.vector_store_idx %arg7[%broadcast_in_dim3A_196, %get3A_123], %gather3A_153 {add = true} : memref<4x10112xf32, #tpu.memory_space<vmem>>[vector<16xi32>, vector<16xi32>], vector<16xf32>,
        %broadcast_in_dim3A_197 = arith.constant 1 : i32
        %broadcast_in_dim3A_198 = vector.broadcast %broadcast_in_dim3A_197 : i32 to vector<16xi32>
        tpu.vector_store_idx %arg7[%broadcast_in_dim3A_198, %get3A_123], %gather3A_156 {add = true} : memref<4x10112xf32, #tpu.memory_space<vmem>>[vector<16xi32>, vector<16xi32>], vector<16xf32>,
        %broadcast_in_dim3A_199 = arith.constant 2 : i32
        %broadcast_in_dim3A_200 = vector.broadcast %broadcast_in_dim3A_199 : i32 to vector<16xi32>
        tpu.vector_store_idx %arg7[%broadcast_in_dim3A_200, %get3A_123], %gather3A_159 {add = true} : memref<4x10112xf32, #tpu.memory_space<vmem>>[vector<16xi32>, vector<16xi32>], vector<16xf32>,
        %broadcast_in_dim3A_201 = arith.constant 3 : i32
        %broadcast_in_dim3A_202 = vector.broadcast %broadcast_in_dim3A_201 : i32 to vector<16xi32>
        tpu.vector_store_idx %arg7[%broadcast_in_dim3A_202, %get3A_123], %gather3A_162 {add = true} : memref<4x10112xf32, #tpu.memory_space<vmem>>[vector<16xi32>, vector<16xi32>], vector<16xf32>,
        %broadcast_in_dim3A_203 = arith.constant 0 : i32
        %broadcast_in_dim3A_204 = vector.broadcast %broadcast_in_dim3A_203 : i32 to vector<16xi32>
        tpu.vector_store_idx %arg7[%broadcast_in_dim3A_204, %get3A_131], %gather3A_165 {add = true} : memref<4x10112xf32, #tpu.memory_space<vmem>>[vector<16xi32>, vector<16xi32>], vector<16xf32>,
        %broadcast_in_dim3A_205 = arith.constant 1 : i32
        %broadcast_in_dim3A_206 = vector.broadcast %broadcast_in_dim3A_205 : i32 to vector<16xi32>
        tpu.vector_store_idx %arg7[%broadcast_in_dim3A_206, %get3A_131], %gather3A_168 {add = true} : memref<4x10112xf32, #tpu.memory_space<vmem>>[vector<16xi32>, vector<16xi32>], vector<16xf32>,
        %broadcast_in_dim3A_207 = arith.constant 2 : i32
        %broadcast_in_dim3A_208 = vector.broadcast %broadcast_in_dim3A_207 : i32 to vector<16xi32>
        tpu.vector_store_idx %arg7[%broadcast_in_dim3A_208, %get3A_131], %gather3A_171 {add = true} : memref<4x10112xf32, #tpu.memory_space<vmem>>[vector<16xi32>, vector<16xi32>], vector<16xf32>,
        %broadcast_in_dim3A_209 = arith.constant 3 : i32
        %broadcast_in_dim3A_210 = vector.broadcast %broadcast_in_dim3A_209 : i32 to vector<16xi32>
        tpu.vector_store_idx %arg7[%broadcast_in_dim3A_210, %get3A_131], %gather3A_174 {add = true} : memref<4x10112xf32, #tpu.memory_space<vmem>>[vector<16xi32>, vector<16xi32>], vector<16xf32>,
        %broadcast_in_dim3A_211 = arith.constant 0 : i32
        %broadcast_in_dim3A_212 = vector.broadcast %broadcast_in_dim3A_211 : i32 to vector<16xi32>
        tpu.vector_store_idx %arg7[%broadcast_in_dim3A_212, %get3A_139], %gather3A_177 {add = true} : memref<4x10112xf32, #tpu.memory_space<vmem>>[vector<16xi32>, vector<16xi32>], vector<16xf32>,
        %broadcast_in_dim3A_213 = arith.constant 1 : i32
        %broadcast_in_dim3A_214 = vector.broadcast %broadcast_in_dim3A_213 : i32 to vector<16xi32>
        tpu.vector_store_idx %arg7[%broadcast_in_dim3A_214, %get3A_139], %gather3A_180 {add = true} : memref<4x10112xf32, #tpu.memory_space<vmem>>[vector<16xi32>, vector<16xi32>], vector<16xf32>,
        %broadcast_in_dim3A_215 = arith.constant 2 : i32
        %broadcast_in_dim3A_216 = vector.broadcast %broadcast_in_dim3A_215 : i32 to vector<16xi32>
        tpu.vector_store_idx %arg7[%broadcast_in_dim3A_216, %get3A_139], %gather3A_183 {add = true} : memref<4x10112xf32, #tpu.memory_space<vmem>>[vector<16xi32>, vector<16xi32>], vector<16xf32>,
        %broadcast_in_dim3A_217 = arith.constant 3 : i32
        %broadcast_in_dim3A_218 = vector.broadcast %broadcast_in_dim3A_217 : i32 to vector<16xi32>
        tpu.vector_store_idx %arg7[%broadcast_in_dim3A_218, %get3A_139], %gather3A_186 {add = true} : memref<4x10112xf32, #tpu.memory_space<vmem>>[vector<16xi32>, vector<16xi32>], vector<16xf32>,
      }
      %scan3A_75 = arith.constant 128 : i32
    }
    %scan3A_18 = arith.constant 10 : i32
    %add3A_19 = arith.constant 155648 : i32
    %add3A_20 = arith.addi %mul3A_0, %add3A_19 : i32
    %dma_wait3A = tpu.memref_slice %arg3[%add3A_20] : memref<327680xi32, #tpu.memory_space<hbm>> -> memref<8192xi32, #tpu.memory_space<hbm>>
    %dma_wait3A_21 = tpu.memref_slice %arg3[%add3A_20] : memref<327680xi32, #tpu.memory_space<hbm>> -> memref<8192xi32, #tpu.memory_space<hbm>>
    tpu.wait_dma2 semaphore(%arg12 : memref<!tpu.dma_semaphore, #tpu.memory_space<semaphore_mem>>) src(%dma_wait3A_21 : memref<8192xi32, #tpu.memory_space<hbm>>) dst(%arg8 : memref<8192xi32, #tpu.memory_space<vmem>>)
    %dma_wait3A_22 = tpu.memref_slice %arg4[%add3A_20] : memref<327680xi32, #tpu.memory_space<hbm>> -> memref<8192xi32, #tpu.memory_space<hbm>>
    %dma_wait3A_23 = tpu.memref_slice %arg4[%add3A_20] : memref<327680xi32, #tpu.memory_space<hbm>> -> memref<8192xi32, #tpu.memory_space<hbm>>
    tpu.wait_dma2 semaphore(%arg14 : memref<!tpu.dma_semaphore, #tpu.memory_space<semaphore_mem>>) src(%dma_wait3A_23 : memref<8192xi32, #tpu.memory_space<hbm>>) dst(%arg10 : memref<8192xi32, #tpu.memory_space<vmem>>)
    "tpu.region"() ({
      %run_scoped3A = tpu.sem_alloc : memref<!tpu.dma_semaphore, #tpu.memory_space<semaphore_mem>>
      %dma_start3A_24 = arith.constant 0 : i32
      %dma_start3A_25 = tpu.memref_slice %arg5[%arg0, %mul3A_2, %dma_start3A_24] : memref<2x64x10112xf32, #tpu.memory_space<hbm>> -> memref<1x4x10112xf32, #tpu.memory_space<hbm>>
      %dma_start3A_26 = tpu.memref_squeeze %dma_start3A_25 : memref<1x4x10112xf32, #tpu.memory_space<hbm>> -> memref<4x10112xf32, #tpu.memory_space<hbm>>
      %dma_start3A_27 = arith.constant 0 : i32
      %dma_start3A_28 = tpu.memref_slice %arg5[%arg0, %mul3A_2, %dma_start3A_27] : memref<2x64x10112xf32, #tpu.memory_space<hbm>> -> memref<1x4x10112xf32, #tpu.memory_space<hbm>>
      %dma_start3A_29 = tpu.memref_squeeze %dma_start3A_28 : memref<1x4x10112xf32, #tpu.memory_space<hbm>> -> memref<4x10112xf32, #tpu.memory_space<hbm>>
      tpu.enqueue_dma source(%arg7 : memref<4x10112xf32, #tpu.memory_space<vmem>>) target(%dma_start3A_29 : memref<4x10112xf32, #tpu.memory_space<hbm>>) target_semaphore(%run_scoped3A : memref<!tpu.dma_semaphore, #tpu.memory_space<semaphore_mem>>)
      %dma_wait3A_30 = arith.constant 0 : i32
      %dma_wait3A_31 = tpu.memref_slice %arg5[%arg0, %mul3A_2, %dma_wait3A_30] : memref<2x64x10112xf32, #tpu.memory_space<hbm>> -> memref<1x4x10112xf32, #tpu.memory_space<hbm>>
      %dma_wait3A_32 = tpu.memref_squeeze %dma_wait3A_31 : memref<1x4x10112xf32, #tpu.memory_space<hbm>> -> memref<4x10112xf32, #tpu.memory_space<hbm>>
      %dma_wait3A_33 = arith.constant 0 : i32
      %dma_wait3A_34 = tpu.memref_slice %arg5[%arg0, %mul3A_2, %dma_wait3A_33] : memref<2x64x10112xf32, #tpu.memory_space<hbm>> -> memref<1x4x10112xf32, #tpu.memory_space<hbm>>
      %dma_wait3A_35 = tpu.memref_squeeze %dma_wait3A_34 : memref<1x4x10112xf32, #tpu.memory_space<hbm>> -> memref<4x10112xf32, #tpu.memory_space<hbm>>
      tpu.wait_dma2 semaphore(%run_scoped3A : memref<!tpu.dma_semaphore, #tpu.memory_space<semaphore_mem>>) src(%arg7 : memref<4x10112xf32, #tpu.memory_space<vmem>>) dst(%dma_wait3A_35 : memref<4x10112xf32, #tpu.memory_space<hbm>>)
      tpu.yield
    }) : () -> ()
    return
  }
}

#map = affine_map<(d0, d1) -> (0)>
#map1 = affine_map<(d0, d1) -> (0, 0)>
module attributes {stable_mosaic.version = 14 : i64} {
  func.func @sc(%arg0: i32, %arg1: i32, %arg2: memref<327680xi32, #tpu.memory_space<hbm>>, %arg3: memref<32x10112xf32, #tpu.memory_space<hbm>>, %arg4: memref<10112xf32, #tpu.memory_space<vmem>>, %arg5: memref<10240xi32, #tpu.memory_space<vmem>>) attributes {dimension_semantics = [#tpu.dimension_semantics<core_parallel>, #tpu.dimension_semantics<subcore_parallel>], iteration_bounds = array<i64: 2, 16>, scalar_prefetch = 0 : i64, scratch_operands = 2 : i64, tpu.core_type = #tpu.core_type<sc_vector_subcore>, window_params = [{transform_indices = #map}, {transform_indices = #map1}]} {
    %mul3A = arith.constant 16 : i32
    %mul3A_0 = arith.muli %arg0, %mul3A : i32
    %add3A = arith.addi %mul3A_0, %arg1 : i32
    %mul3A_1 = arith.constant 10240 : i32
    %mul3A_2 = arith.muli %add3A, %mul3A_1 : i32
    "tpu.region"() ({
      %run_scoped3A = tpu.sem_alloc : memref<!tpu.dma_semaphore, #tpu.memory_space<semaphore_mem>>
      %dma_start3A = tpu.memref_slice %arg2[%mul3A_2] : memref<327680xi32, #tpu.memory_space<hbm>> -> memref<10240xi32, #tpu.memory_space<hbm>>
      %dma_start3A_17 = tpu.memref_slice %arg2[%mul3A_2] : memref<327680xi32, #tpu.memory_space<hbm>> -> memref<10240xi32, #tpu.memory_space<hbm>>
      tpu.enqueue_dma source(%dma_start3A_17 : memref<10240xi32, #tpu.memory_space<hbm>>) target(%arg5 : memref<10240xi32, #tpu.memory_space<vmem>>) target_semaphore(%run_scoped3A : memref<!tpu.dma_semaphore, #tpu.memory_space<semaphore_mem>>)
      %dma_wait3A = tpu.memref_slice %arg2[%mul3A_2] : memref<327680xi32, #tpu.memory_space<hbm>> -> memref<10240xi32, #tpu.memory_space<hbm>>
      %dma_wait3A_18 = tpu.memref_slice %arg2[%mul3A_2] : memref<327680xi32, #tpu.memory_space<hbm>> -> memref<10240xi32, #tpu.memory_space<hbm>>
      tpu.wait_dma2 semaphore(%run_scoped3A : memref<!tpu.dma_semaphore, #tpu.memory_space<semaphore_mem>>) src(%dma_wait3A_18 : memref<10240xi32, #tpu.memory_space<hbm>>) dst(%arg5 : memref<10240xi32, #tpu.memory_space<vmem>>)
      tpu.yield
    }) : () -> ()
    %broadcast_in_dim3A = arith.constant 0.000000e+00 : f32
    %broadcast_in_dim3A_3 = vector.broadcast %broadcast_in_dim3A : f32 to vector<16xf32>
    %scan3A = arith.constant 0 : i32
    %scan3A_4 = arith.constant 0 : i32
    %scan3A_5 = arith.constant 632 : i32
    %scan3A_6 = arith.addi %scan3A_4, %scan3A_5 : i32
    %scan3A_7 = arith.constant 1 : i32
    scf.for %scan3A_17 = %scan3A_4 to %scan3A_6 step %scan3A_7  : i32 {
      %mul3A_18 = arith.constant 16 : i32
      %mul3A_19 = arith.muli %scan3A_17, %mul3A_18 : i32
      %swap3A = arith.index_cast %mul3A_19 : i32 to index
      %swap3A_20 = tpu.vector_load %arg4[%swap3A] {strides = array<i32>} : memref<10112xf32, #tpu.memory_space<vmem>>, vector<16xf32>,
      tpu.vector_store %arg4[%swap3A], %broadcast_in_dim3A_3 {strides = array<i32>} : memref<10112xf32, #tpu.memory_space<vmem>>, vector<16xf32>,
    }
    %scan3A_8 = arith.constant 632 : i32
    %broadcast_in_dim3A_9 = arith.constant 1.000000e+00 : f32
    %broadcast_in_dim3A_10 = vector.broadcast %broadcast_in_dim3A_9 : f32 to vector<16xf32>
    %scan3A_11 = arith.constant 0 : i32
    %scan3A_12 = arith.constant 0 : i32
    %scan3A_13 = arith.constant 160 : i32
    %scan3A_14 = arith.addi %scan3A_12, %scan3A_13 : i32
    %scan3A_15 = arith.constant 1 : i32
    scf.for %scan3A_17 = %scan3A_12 to %scan3A_14 step %scan3A_15  : i32 {
      %mul3A_18 = arith.constant 4 : i32
      %mul3A_19 = arith.muli %mul3A_18, %scan3A_17 : i32
      %add3A_20 = arith.constant 0 : i32
      %add3A_21 = arith.addi %mul3A_19, %add3A_20 : i32
      %mul3A_22 = arith.constant 16 : i32
      %mul3A_23 = arith.muli %add3A_21, %mul3A_22 : i32
      %get3A = arith.index_cast %mul3A_23 : i32 to index
      %get3A_24 = tpu.vector_load %arg5[%get3A] {strides = array<i32>} : memref<10240xi32, #tpu.memory_space<vmem>>, vector<16xi32>,
      tpu.vector_store_idx %arg4[%get3A_24], %broadcast_in_dim3A_10 {add = true} : memref<10112xf32, #tpu.memory_space<vmem>>[vector<16xi32>], vector<16xf32>,
      %mul3A_25 = arith.constant 4 : i32
      %mul3A_26 = arith.muli %mul3A_25, %scan3A_17 : i32
      %add3A_27 = arith.constant 1 : i32
      %add3A_28 = arith.addi %mul3A_26, %add3A_27 : i32
      %mul3A_29 = arith.constant 16 : i32
      %mul3A_30 = arith.muli %add3A_28, %mul3A_29 : i32
      %get3A_31 = arith.index_cast %mul3A_30 : i32 to index
      %get3A_32 = tpu.vector_load %arg5[%get3A_31] {strides = array<i32>} : memref<10240xi32, #tpu.memory_space<vmem>>, vector<16xi32>,
      tpu.vector_store_idx %arg4[%get3A_32], %broadcast_in_dim3A_10 {add = true} : memref<10112xf32, #tpu.memory_space<vmem>>[vector<16xi32>], vector<16xf32>,
      %mul3A_33 = arith.constant 4 : i32
      %mul3A_34 = arith.muli %mul3A_33, %scan3A_17 : i32
      %add3A_35 = arith.constant 2 : i32
      %add3A_36 = arith.addi %mul3A_34, %add3A_35 : i32
      %mul3A_37 = arith.constant 16 : i32
      %mul3A_38 = arith.muli %add3A_36, %mul3A_37 : i32
      %get3A_39 = arith.index_cast %mul3A_38 : i32 to index
      %get3A_40 = tpu.vector_load %arg5[%get3A_39] {strides = array<i32>} : memref<10240xi32, #tpu.memory_space<vmem>>, vector<16xi32>,
      tpu.vector_store_idx %arg4[%get3A_40], %broadcast_in_dim3A_10 {add = true} : memref<10112xf32, #tpu.memory_space<vmem>>[vector<16xi32>], vector<16xf32>,
      %mul3A_41 = arith.constant 4 : i32
      %mul3A_42 = arith.muli %mul3A_41, %scan3A_17 : i32
      %add3A_43 = arith.constant 3 : i32
      %add3A_44 = arith.addi %mul3A_42, %add3A_43 : i32
      %mul3A_45 = arith.constant 16 : i32
      %mul3A_46 = arith.muli %add3A_44, %mul3A_45 : i32
      %get3A_47 = arith.index_cast %mul3A_46 : i32 to index
      %get3A_48 = tpu.vector_load %arg5[%get3A_47] {strides = array<i32>} : memref<10240xi32, #tpu.memory_space<vmem>>, vector<16xi32>,
      tpu.vector_store_idx %arg4[%get3A_48], %broadcast_in_dim3A_10 {add = true} : memref<10112xf32, #tpu.memory_space<vmem>>[vector<16xi32>], vector<16xf32>,
    }
    %scan3A_16 = arith.constant 160 : i32
    "tpu.region"() ({
      %run_scoped3A = tpu.sem_alloc : memref<!tpu.dma_semaphore, #tpu.memory_space<semaphore_mem>>
      %dma_start3A = arith.constant 0 : i32
      %dma_start3A_17 = tpu.memref_slice %arg3[%add3A, %dma_start3A] : memref<32x10112xf32, #tpu.memory_space<hbm>> -> memref<1x10112xf32, #tpu.memory_space<hbm>>
      %dma_start3A_18 = tpu.memref_squeeze %dma_start3A_17 : memref<1x10112xf32, #tpu.memory_space<hbm>> -> memref<10112xf32, #tpu.memory_space<hbm>>
      %dma_start3A_19 = arith.constant 0 : i32
      %dma_start3A_20 = tpu.memref_slice %arg3[%add3A, %dma_start3A_19] : memref<32x10112xf32, #tpu.memory_space<hbm>> -> memref<1x10112xf32, #tpu.memory_space<hbm>>
      %dma_start3A_21 = tpu.memref_squeeze %dma_start3A_20 : memref<1x10112xf32, #tpu.memory_space<hbm>> -> memref<10112xf32, #tpu.memory_space<hbm>>
      tpu.enqueue_dma source(%arg4 : memref<10112xf32, #tpu.memory_space<vmem>>) target(%dma_start3A_21 : memref<10112xf32, #tpu.memory_space<hbm>>) target_semaphore(%run_scoped3A : memref<!tpu.dma_semaphore, #tpu.memory_space<semaphore_mem>>)
      %dma_wait3A = arith.constant 0 : i32
      %dma_wait3A_22 = tpu.memref_slice %arg3[%add3A, %dma_wait3A] : memref<32x10112xf32, #tpu.memory_space<hbm>> -> memref<1x10112xf32, #tpu.memory_space<hbm>>
      %dma_wait3A_23 = tpu.memref_squeeze %dma_wait3A_22 : memref<1x10112xf32, #tpu.memory_space<hbm>> -> memref<10112xf32, #tpu.memory_space<hbm>>
      %dma_wait3A_24 = arith.constant 0 : i32
      %dma_wait3A_25 = tpu.memref_slice %arg3[%add3A, %dma_wait3A_24] : memref<32x10112xf32, #tpu.memory_space<hbm>> -> memref<1x10112xf32, #tpu.memory_space<hbm>>
      %dma_wait3A_26 = tpu.memref_squeeze %dma_wait3A_25 : memref<1x10112xf32, #tpu.memory_space<hbm>> -> memref<10112xf32, #tpu.memory_space<hbm>>
      tpu.wait_dma2 semaphore(%run_scoped3A : memref<!tpu.dma_semaphore, #tpu.memory_space<semaphore_mem>>) src(%arg4 : memref<10112xf32, #tpu.memory_space<vmem>>) dst(%dma_wait3A_26 : memref<10112xf32, #tpu.memory_space<hbm>>)
      tpu.yield
    }) : () -> ()
    return
  }
}

module attributes {stable_mosaic.version = 14 : i64} {
  func.func @_tc1_body(%arg0: memref<128x10112xf32, #tpu.memory_space<vmem>>, %arg1: memref<64x128xf32, #tpu.memory_space<vmem>>, %arg2: memref<64x128xf32, #tpu.memory_space<vmem>>, %arg3: memref<64x1xf32, #tpu.memory_space<vmem>>, %arg4: memref<64x10112xf32, #tpu.memory_space<vmem>>, %arg5: memref<64x10112xf32, #tpu.memory_space<vmem>>) attributes {dimension_semantics = [], scalar_prefetch = 0 : i64, scratch_operands = 0 : i64, tpu.core_type = #tpu.core_type<tc>} {
    %get3A = arith.constant 0 : index
    %get3A_0 = arith.constant 0 : index
    %get3A_1 = vector.load %arg0[%get3A, %get3A_0] : memref<128x10112xf32, #tpu.memory_space<vmem>>, vector<128x10112xf32>
    %get3A_2 = arith.constant 0 : index
    %get3A_3 = arith.constant 0 : index
    %get3A_4 = vector.load %arg1[%get3A_2, %get3A_3] : memref<64x128xf32, #tpu.memory_space<vmem>>, vector<64x128xf32>
    %dot_general3A = arith.constant dense<0.000000e+00> : vector<64x10112xf32>
    %dot_general3A_5 = tpu.matmul %get3A_4, %get3A_1, %dot_general3A {dimension_numbers = #tpu.dot_dimension_numbers<[1], [0], [0], [1], [0, 0, 1, 1], [], []>, transpose_lhs_hint = false} : vector<64x128xf32>, vector<128x10112xf32>, vector<64x10112xf32> -> vector<64x10112xf32>
    %swap3A = arith.constant 0 : index
    %swap3A_6 = arith.constant 0 : index
    %swap3A_7 = vector.load %arg4[%swap3A, %swap3A_6] : memref<64x10112xf32, #tpu.memory_space<vmem>>, vector<64x10112xf32>
    tpu.vector_store %arg4[%swap3A, %swap3A_6], %dot_general3A_5 {strides = array<i32>} : memref<64x10112xf32, #tpu.memory_space<vmem>>, vector<64x10112xf32>,
    %get3A_8 = arith.constant 0 : index
    %get3A_9 = arith.constant 0 : index
    %get3A_10 = vector.load %arg2[%get3A_8, %get3A_9] : memref<64x128xf32, #tpu.memory_space<vmem>>, vector<64x128xf32>
    %dot_general3A_11 = arith.constant dense<0.000000e+00> : vector<64x10112xf32>
    %dot_general3A_12 = tpu.matmul %get3A_10, %get3A_1, %dot_general3A_11 {dimension_numbers = #tpu.dot_dimension_numbers<[1], [0], [0], [1], [0, 0, 1, 1], [], []>, transpose_lhs_hint = false} : vector<64x128xf32>, vector<128x10112xf32>, vector<64x10112xf32> -> vector<64x10112xf32>
    %get3A_13 = arith.constant 0 : index
    %get3A_14 = arith.constant 0 : index
    %get3A_15 = vector.load %arg3[%get3A_13, %get3A_14] : memref<64x1xf32, #tpu.memory_space<vmem>>, vector<64x1xf32>
    %add3A = vector.broadcast %get3A_15 : vector<64x1xf32> to vector<64x10112xf32>
    %add3A_16 = arith.addf %dot_general3A_12, %add3A : vector<64x10112xf32>
    %swap3A_17 = arith.constant 0 : index
    %swap3A_18 = arith.constant 0 : index
    %swap3A_19 = vector.load %arg5[%swap3A_17, %swap3A_18] : memref<64x10112xf32, #tpu.memory_space<vmem>>, vector<64x10112xf32>
    tpu.vector_store %arg5[%swap3A_17, %swap3A_18], %add3A_16 {strides = array<i32>} : memref<64x10112xf32, #tpu.memory_space<vmem>>, vector<64x10112xf32>,
    return
  }
}

module attributes {stable_mosaic.version = 14 : i64} {
  func.func @_tc2_body(%arg0: memref<2x64x10112xf32, #tpu.memory_space<vmem>>, %arg1: memref<32x10112xf32, #tpu.memory_space<vmem>>, %arg2: memref<64x10112xf32, #tpu.memory_space<vmem>>, %arg3: memref<32x64xf32, #tpu.memory_space<vmem>>, %arg4: memref<32x64xf32, #tpu.memory_space<vmem>>, %arg5: memref<32x1xf32, #tpu.memory_space<vmem>>, %arg6: memref<32x10112xf32, #tpu.memory_space<vmem>>, %arg7: memref<32x10112xf32, #tpu.memory_space<vmem>>, %arg8: memref<8x10112xf32, #tpu.memory_space<vmem>>) attributes {dimension_semantics = [], scalar_prefetch = 0 : i64, scratch_operands = 0 : i64, tpu.core_type = #tpu.core_type<tc>} {
    %get3A = arith.constant 0 : index
    %get3A_0 = arith.constant 0 : index
    %get3A_1 = arith.constant 0 : index
    %get3A_2 = vector.load %arg0[%get3A, %get3A_0, %get3A_1] : memref<2x64x10112xf32, #tpu.memory_space<vmem>>, vector<1x64x10112xf32>
    %get3A_3 = vector.shape_cast %get3A_2 : vector<1x64x10112xf32> to vector<64x10112xf32>
    %get3A_4 = arith.constant 1 : index
    %get3A_5 = arith.constant 0 : index
    %get3A_6 = arith.constant 0 : index
    %get3A_7 = vector.load %arg0[%get3A_4, %get3A_5, %get3A_6] : memref<2x64x10112xf32, #tpu.memory_space<vmem>>, vector<1x64x10112xf32>
    %get3A_8 = vector.shape_cast %get3A_7 : vector<1x64x10112xf32> to vector<64x10112xf32>
    %add3A = arith.addf %get3A_3, %get3A_8 : vector<64x10112xf32>
    %get3A_9 = arith.constant 0 : index
    %get3A_10 = arith.constant 0 : index
    %get3A_11 = vector.load %arg1[%get3A_9, %get3A_10] : memref<32x10112xf32, #tpu.memory_space<vmem>>, vector<32x10112xf32>
    %reduce_sum3A = arith.constant dense<0.000000e+00> : vector<10112xf32>
    %reduce_sum3A_12 = vector.multi_reduction <add>, %get3A_11, %reduce_sum3A [0] : vector<32x10112xf32> to vector<10112xf32>
    %broadcast_in_dim3A = vector.shape_cast %reduce_sum3A_12 : vector<10112xf32> to vector<1x10112xf32>
    %max3A = arith.constant 1.000000e+00 : f32
    %max3A_13 = vector.broadcast %max3A : f32 to vector<1x10112xf32>
    %max3A_14 = arith.maximumf %broadcast_in_dim3A, %max3A_13 : vector<1x10112xf32>
    %div3A = arith.constant 1.000000e+00 : f32
    %div3A_15 = vector.broadcast %div3A : f32 to vector<1x10112xf32>
    %div3A_16 = arith.divf %div3A_15, %max3A_14 : vector<1x10112xf32>
    %mul3A = vector.broadcast %div3A_16 : vector<1x10112xf32> to vector<64x10112xf32>
    %mul3A_17 = arith.mulf %add3A, %mul3A : vector<64x10112xf32>
    %get3A_18 = arith.constant 0 : index
    %get3A_19 = arith.constant 0 : index
    %get3A_20 = vector.load %arg2[%get3A_18, %get3A_19] : memref<64x10112xf32, #tpu.memory_space<vmem>>, vector<64x10112xf32>
    %add3A_21 = arith.addf %mul3A_17, %get3A_20 : vector<64x10112xf32>
    %max3A_22 = arith.constant 0.000000e+00 : f32
    %max3A_23 = vector.broadcast %max3A_22 : f32 to vector<64x10112xf32>
    %max3A_24 = arith.maximumf %add3A_21, %max3A_23 : vector<64x10112xf32>
    %get3A_25 = arith.constant 0 : index
    %get3A_26 = arith.constant 0 : index
    %get3A_27 = vector.load %arg3[%get3A_25, %get3A_26] : memref<32x64xf32, #tpu.memory_space<vmem>>, vector<32x64xf32>
    %dot_general3A = arith.constant dense<0.000000e+00> : vector<32x10112xf32>
    %dot_general3A_28 = tpu.matmul %get3A_27, %max3A_24, %dot_general3A {dimension_numbers = #tpu.dot_dimension_numbers<[1], [0], [0], [1], [0, 0, 1, 1], [], []>, transpose_lhs_hint = false} : vector<32x64xf32>, vector<64x10112xf32>, vector<32x10112xf32> -> vector<32x10112xf32>
    %swap3A = arith.constant 0 : index
    %swap3A_29 = arith.constant 0 : index
    %swap3A_30 = vector.load %arg6[%swap3A, %swap3A_29] : memref<32x10112xf32, #tpu.memory_space<vmem>>, vector<32x10112xf32>
    tpu.vector_store %arg6[%swap3A, %swap3A_29], %dot_general3A_28 {strides = array<i32>} : memref<32x10112xf32, #tpu.memory_space<vmem>>, vector<32x10112xf32>,
    %get3A_31 = arith.constant 0 : index
    %get3A_32 = arith.constant 0 : index
    %get3A_33 = vector.load %arg4[%get3A_31, %get3A_32] : memref<32x64xf32, #tpu.memory_space<vmem>>, vector<32x64xf32>
    %dot_general3A_34 = arith.constant dense<0.000000e+00> : vector<32x10112xf32>
    %dot_general3A_35 = tpu.matmul %get3A_33, %max3A_24, %dot_general3A_34 {dimension_numbers = #tpu.dot_dimension_numbers<[1], [0], [0], [1], [0, 0, 1, 1], [], []>, transpose_lhs_hint = false} : vector<32x64xf32>, vector<64x10112xf32>, vector<32x10112xf32> -> vector<32x10112xf32>
    %get3A_36 = arith.constant 0 : index
    %get3A_37 = arith.constant 0 : index
    %get3A_38 = vector.load %arg5[%get3A_36, %get3A_37] : memref<32x1xf32, #tpu.memory_space<vmem>>, vector<32x1xf32>
    %add3A_39 = vector.broadcast %get3A_38 : vector<32x1xf32> to vector<32x10112xf32>
    %add3A_40 = arith.addf %dot_general3A_35, %add3A_39 : vector<32x10112xf32>
    %swap3A_41 = arith.constant 0 : index
    %swap3A_42 = arith.constant 0 : index
    %swap3A_43 = vector.load %arg7[%swap3A_41, %swap3A_42] : memref<32x10112xf32, #tpu.memory_space<vmem>>, vector<32x10112xf32>
    tpu.vector_store %arg7[%swap3A_41, %swap3A_42], %add3A_40 {strides = array<i32>} : memref<32x10112xf32, #tpu.memory_space<vmem>>, vector<32x10112xf32>,
    %broadcast_in_dim3A_44 = vector.shape_cast %div3A_16 : vector<1x10112xf32> to vector<1x10112xf32>
    %broadcast_in_dim3A_45 = vector.broadcast %broadcast_in_dim3A_44 : vector<1x10112xf32> to vector<8x10112xf32>
    %swap3A_46 = arith.constant 0 : index
    %swap3A_47 = arith.constant 0 : index
    %swap3A_48 = vector.load %arg8[%swap3A_46, %swap3A_47] : memref<8x10112xf32, #tpu.memory_space<vmem>>, vector<8x10112xf32>
    tpu.vector_store %arg8[%swap3A_46, %swap3A_47], %broadcast_in_dim3A_45 {strides = array<i32>} : memref<8x10112xf32, #tpu.memory_space<vmem>>, vector<8x10112xf32>,
    return
  }
}

module attributes {stable_mosaic.version = 14 : i64} {
  func.func @_tc3_body(%arg0: memref<2x32x10112xf32, #tpu.memory_space<vmem>>, %arg1: memref<32x10112xf32, #tpu.memory_space<vmem>>, %arg2: memref<8x10112xf32, #tpu.memory_space<vmem>>, %arg3: memref<8x32xf32, #tpu.memory_space<vmem>>, %arg4: memref<8x1xf32, #tpu.memory_space<vmem>>, %arg5: memref<8x10112xf32, #tpu.memory_space<vmem>>) attributes {dimension_semantics = [], scalar_prefetch = 0 : i64, scratch_operands = 0 : i64, tpu.core_type = #tpu.core_type<tc>} {
    %get3A = arith.constant 0 : index
    %get3A_0 = arith.constant 0 : index
    %get3A_1 = arith.constant 0 : index
    %get3A_2 = vector.load %arg0[%get3A, %get3A_0, %get3A_1] : memref<2x32x10112xf32, #tpu.memory_space<vmem>>, vector<1x32x10112xf32>
    %get3A_3 = vector.shape_cast %get3A_2 : vector<1x32x10112xf32> to vector<32x10112xf32>
    %get3A_4 = arith.constant 1 : index
    %get3A_5 = arith.constant 0 : index
    %get3A_6 = arith.constant 0 : index
    %get3A_7 = vector.load %arg0[%get3A_4, %get3A_5, %get3A_6] : memref<2x32x10112xf32, #tpu.memory_space<vmem>>, vector<1x32x10112xf32>
    %get3A_8 = vector.shape_cast %get3A_7 : vector<1x32x10112xf32> to vector<32x10112xf32>
    %add3A = arith.addf %get3A_3, %get3A_8 : vector<32x10112xf32>
    %get3A_9 = arith.constant 0 : index
    %get3A_10 = arith.constant 0 : index
    %get3A_11 = vector.load %arg2[%get3A_9, %get3A_10] : memref<8x10112xf32, #tpu.memory_space<vmem>>, vector<8x10112xf32>
    %slice3A = vector.extract_strided_slice %get3A_11 {offsets = [0, 0], sizes = [1, 10112], strides = [1, 1]} : vector<8x10112xf32> to vector<1x10112xf32>
    %mul3A = vector.broadcast %slice3A : vector<1x10112xf32> to vector<32x10112xf32>
    %mul3A_12 = arith.mulf %add3A, %mul3A : vector<32x10112xf32>
    %get3A_13 = arith.constant 0 : index
    %get3A_14 = arith.constant 0 : index
    %get3A_15 = vector.load %arg1[%get3A_13, %get3A_14] : memref<32x10112xf32, #tpu.memory_space<vmem>>, vector<32x10112xf32>
    %add3A_16 = arith.addf %mul3A_12, %get3A_15 : vector<32x10112xf32>
    %get3A_17 = arith.constant 0 : index
    %get3A_18 = arith.constant 0 : index
    %get3A_19 = vector.load %arg3[%get3A_17, %get3A_18] : memref<8x32xf32, #tpu.memory_space<vmem>>, vector<8x32xf32>
    %dot_general3A = arith.constant dense<0.000000e+00> : vector<8x10112xf32>
    %dot_general3A_20 = tpu.matmul %get3A_19, %add3A_16, %dot_general3A {dimension_numbers = #tpu.dot_dimension_numbers<[1], [0], [0], [1], [0, 0, 1, 1], [], []>, transpose_lhs_hint = false} : vector<8x32xf32>, vector<32x10112xf32>, vector<8x10112xf32> -> vector<8x10112xf32>
    %get3A_21 = arith.constant 0 : index
    %get3A_22 = arith.constant 0 : index
    %get3A_23 = vector.load %arg4[%get3A_21, %get3A_22] : memref<8x1xf32, #tpu.memory_space<vmem>>, vector<8x1xf32>
    %add3A_24 = vector.broadcast %get3A_23 : vector<8x1xf32> to vector<8x10112xf32>
    %add3A_25 = arith.addf %dot_general3A_20, %add3A_24 : vector<8x10112xf32>
    %swap3A = arith.constant 0 : index
    %swap3A_26 = arith.constant 0 : index
    %swap3A_27 = vector.load %arg5[%swap3A, %swap3A_26] : memref<8x10112xf32, #tpu.memory_space<vmem>>, vector<8x10112xf32>
    tpu.vector_store %arg5[%swap3A, %swap3A_26], %add3A_25 {strides = array<i32>} : memref<8x10112xf32, #tpu.memory_space<vmem>>, vector<8x10112xf32>,
    return
  }
}

</mosaic_0001>

<sc_bundles>
// kernel: kernel.11.cloned.1.call-start
scs
__scs_entry_jumppad:
0x0: {  	(pc) =	sbr.rel $0x88, $3  }
0x1: {  	(tag) =	ssettag $0x0;
	lr =	simm.s32 $0x1  }
0x2: {  	[smem:$0x3F97] =	sst lr;
	_ =	strace $0xD0000000  }
0x3: {  	_ = 	snop  }
0x4: {  	_ = 	snop  }
0x5: {  	_ = 	snop  }
0x6: {  	_ = 	snop  }
0x7: {  	_ = 	snop  }
__scs_overlays_trampoline_lowered:
0x8: {  	[smem:$0x3FA6] =	sst s0  }
0x9: {  	[smem:$0x3FA7] =	sst s1  }
0xa: {  	[smem:$0x3FA8] =	sst s2  }
0xb: {  	[smem:$0x3FA9] =	sst s3  }
0xc: {  	[smem:$0x3FAA] =	sst s4  }
0xd: {  	[smem:$0x3FAB] =	sst s5  }
0xe: {  	[smem:$0x3FAC] =	sst s6  }
0xf: {  	[smem:$0x3FAD] =	sst s7  }
0x10: {  	[smem:$0x3FAE] =	sst s8  }
0x11: {  	[smem:$0x3FAF] =	sst s9;
	s0 =	simm.s32 @!p0 $0x0  }
0x12: {  	s1 =	sld [smem:$0x3F95];
	s0 =	simm.s32 @p0 $0x1  }
0x13: {  	[smem:$0x3FB0] =	sst s0;
	s0 =	simm.s32 @!p1 $0x0  }
0x14: {  	s2 =	sld [smem:$0x3F94];
	s0 =	simm.s32 @p1 $0x1  }
0x15: {  	[smem:$0x3FB1] =	sst s0;
	s0 =	simm.s32 @!p2 $0x0  }
0x16: {  	s3 =	sld [smem:$0x3FDB];
	s0 =	simm.s32 @p2 $0x1  }
0x17: {  	s4 =	simm.s32 $0x1BF5;
	[smem:$0x3FB3] =	sst s0  }
0x18: {  	s0 =	sld [smem:$0x3F96];
	_ =	swait.ge [sflag:s4], $0x0  }
0x19: {  	s7 =	sld [smem:$0x3F97]  }
0x1a: {  	s8 =	sadd.s32 $0xFFFFE003, lr  }
0x1b: {  	s9 =	sadd.s32 $0xFFFFFEF7, lr;
	s5 =	simm.s32 $0xFFFFFFFF;
	p2 =	slt.u32 s8, $0xFFFFF086  }
0x1c: {  	p1 =	slt.u32 s9, $0xF7A;
	s5 =	simm.s32 @!p2 $0x0  }
0x1d: {  	s5 =	simm.s32 @p1 $0x1;
	p0 =	seq.s32 s7, s2  }
0x1e: {  	s7 =	smul.u32 @!p0 $0xF7A, s2;
	p2 =	seq.s32 @!p0 s5, $0x0  }
0x1f: {  	s9 =	smul.u32 $0xF7A, s1;
	s8 =	simm.s32 @!p0 $0x1BF5;
	p2 =	por !p2, p0  }
0x20: {  	[sflag:s8] =	ssyncset.s32 @!p0 $0xFFFFF086;
	s6 =	sadd.s32 @!p0 s3, s7;
	s7 =	simm.s32 @!p0 $0x108  }
0x21: {  	s3 =	sadd.s32 s3, s9;
	s6 =	sadd.s32 @!p0 $0x88, s6;
	s7 =	simm.s32 @p2 $0x1082  }
0x22: {  	[simem:s7], [sflag:s8] =	dma.local @!p0 [hbm:s6], $0xF7A  }
0x23: {  	s9 =	sor.u32 $0xD0000000, s2;
	s6 =	simm.s32 $0x108;
	_ =	swait.ge @!p0 [sflag:s8], $0x0  }
0x24: {  	s3 =	sadd.s32 $0x88, s3;
	s6 =	simm.s32 @!p1 $0x1082;
	[sflag:s4] =	ssyncset.s32 $0xFFFFF086  }
0x25: {  	[simem:s6], [sflag:s4] =	dma.local [hbm:s3], $0xF7A  }
0x26: {  	[smem:$0x3F97] =	sst s1;
	(tag) =	ssettag s2;
	_ =	strace s9  }
0x27: {  	s1 =	sld [smem:$0x3FA7]  }
0x28: {  	s2 =	sld [smem:$0x3FA8]  }
0x29: {  	s4 =	sld [smem:$0x3FAA]  }
0x2a: {  	p0 =	seq.s32 s5, $0x0;
	s5 =	sld [smem:$0x3FAB]  }
0x2b: {  	s6 =	sld [smem:$0x3FAC]  }
0x2c: {  	s7 =	sld [smem:$0x3FAD]  }
0x2d: {  	s3 =	simm.s32 $0x108;
	s8 =	sld [smem:$0x3FAE]  }
0x2e: {  	s3 =	simm.s32 @!p0 $0x1082;
	s9 =	sld [smem:$0x3FAF]  }
0x2f: {  	lr =	sadd.s32 s0, s3;
	s0 =	sld [smem:$0x3FA6]  }
0x30: {  	s3 =	sld [smem:$0x3FA9]  }
0x31: {  	[smem:$0x3FB2] =	sst s10  }
0x32: {  	s10 =	sld [smem:$0x3FB0];
	_ =	sdelay $0x3  }
0x33: {  	p0 =	seq.s32 s10, $0x1;
	s10 =	sld [smem:$0x3FB2];
	_ =	sdelay $0x3  }
0x34: {  	[smem:$0x3FB2] =	sst s10  }
0x35: {  	s10 =	sld [smem:$0x3FB1];
	_ =	sdelay $0x3  }
0x36: {  	p1 =	seq.s32 s10, $0x1;
	s10 =	sld [smem:$0x3FB2];
	_ =	sdelay $0x3  }
0x37: {  	[smem:$0x3FB2] =	sst s10  }
0x38: {  	s10 =	sld [smem:$0x3FB3]  }
0x39: {  	_ = 	snop;
	(pc) =	sbr.ind lr, $3  }
0x3a: {  	_ = 	snop  }
0x3b: {  	_ = 	snop  }
0x3c: {  	p2 =	seq.s32 s10, $0x1;
	s10 =	sld [smem:$0x3FB2]  }
0x3d: {  	_ =	shalt  }
0x3e: {  	_ =	shalt  }
0x3f: {  	_ =	shalt  }
0x40: {  	_ =	shalt  }
0x41: {  	_ =	shalt  }
0x42: {  	_ =	shalt  }
0x43: {  	_ =	shalt  }
0x44: {  	_ =	shalt  }
0x45: {  	_ =	shalt  }
0x46: {  	_ =	shalt  }
0x47: {  	_ =	shalt  }
0x48: {  	_ =	shalt  }
0x49: {  	_ =	shalt  }
0x4a: {  	_ =	shalt  }
0x4b: {  	_ =	shalt  }
0x4c: {  	_ =	shalt  }
0x4d: {  	_ =	shalt  }
0x4e: {  	_ =	shalt  }
0x4f: {  	_ =	shalt  }
0x50: {  	_ =	shalt  }
0x51: {  	_ =	shalt  }
0x52: {  	_ =	shalt  }
0x53: {  	_ =	shalt  }
0x54: {  	_ =	shalt  }
0x55: {  	_ =	shalt  }
0x56: {  	_ =	shalt  }
0x57: {  	_ =	shalt  }
0x58: {  	_ =	shalt  }
0x59: {  	_ =	shalt  }
0x5a: {  	_ =	shalt  }
0x5b: {  	_ =	shalt  }
0x5c: {  	_ =	shalt  }
0x5d: {  	_ =	shalt  }
0x5e: {  	_ =	shalt  }
0x5f: {  	_ =	shalt  }
0x60: {  	_ =	shalt  }
0x61: {  	_ =	shalt  }
0x62: {  	_ =	shalt  }
0x63: {  	_ =	shalt  }
0x64: {  	_ =	shalt  }
0x65: {  	_ =	shalt  }
0x66: {  	_ =	shalt  }
0x67: {  	_ =	shalt  }
0x68: {  	_ =	shalt  }
0x69: {  	_ =	shalt  }
0x6a: {  	_ =	shalt  }
0x6b: {  	_ =	shalt  }
0x6c: {  	_ =	shalt  }
0x6d: {  	_ =	shalt  }
0x6e: {  	_ =	shalt  }
0x6f: {  	_ =	shalt  }
0x70: {  	_ =	shalt  }
0x71: {  	_ =	shalt  }
0x72: {  	_ =	shalt  }
0x73: {  	_ =	shalt  }
0x74: {  	_ =	shalt  }
0x75: {  	_ =	shalt  }
0x76: {  	_ =	shalt  }
0x77: {  	_ =	shalt  }
0x78: {  	_ =	shalt  }
0x79: {  	_ =	shalt  }
0x7a: {  	_ =	shalt  }
0x7b: {  	_ =	shalt  }
0x7c: {  	_ =	shalt  }
0x7d: {  	_ =	shalt  }
0x7e: {  	_ =	shalt  }
0x7f: {  	_ =	shalt  }
0x80: {  	_ =	shalt  }
0x81: {  	_ =	shalt  }
0x82: {  	_ =	shalt  }
0x83: {  	_ =	shalt  }
0x84: {  	_ =	shalt  }
0x85: {  	_ =	shalt  }
0x86: {  	_ =	shalt  }
0x87: {  	_ =	shalt  }
.Lfunc_end0:
.L_simem_size_0:
called_computation.1_lowered:
.L_overlay_start_0:
0x88: {  	s2 =	sld [smem:$0x3FD9]  }
0x89: {  	s3 =	sld [smem:$0x3FFE];
	_ =	sdelay $0x1  }
0x8a: {  	s1 =	srdreg.scid  }
0x8b: {  	s0 =	sand.u32 $0x1, s1  }
0x8c: {  	s16 =	sshll.u32 s0, $0xA;
	s2 =	sadd.s32 s3, s2  }
0x8d: {  	s2 =	sadd.s32 s2, s16  }
0x8e: {  	[smem:$0x3FBE] =	sst s2  }
0x8f: {  	_ = 	snop  }
0x90: {  	(tm) =	ssettm $0x1  }
0x91: {  	s17 =	sld [smem:$0x3FFB];
	_ =	sdelay $0x3  }
0x92: {  	_ =	strace s17  }
0x93: {  	s2 =	sld [smem:$0x3FFC];
	_ =	sdelay $0x3  }
0x94: {  	_ =	strace s2  }
0x95: {  	s2 =	sld [smem:$0x3FFD];
	_ =	sdelay $0x3  }
0x96: {  	_ =	strace s2  }
0x97: {  	_ =	strace $0x8FFFFFFF  }
0x98: {  	s18 =	sld [smem:$0x3FDB];
	_ =	sdelay $0x1  }
0x99: {  	s19 =	simm.s32 $_scs_section_size  }
0x9a: {  	s4 =	simm.s32 $_size__tile_overlayer_lowered;
	s5 =	simm.s32 $_tile_overlayer_lowered  }
0x9b: {  	s22 =	simm.s32 $0x1BFF;
	s21 =	sshll.u32 s5, $0x1;
	s2 =	sadd.s32 s19, s18  }
0x9c: {  	s6 =	simm.s32 $0x0;
	s20 =	sshll.u32 s4, $0x1;
	s4 =	sadd.s32 s21, s2  }
0x9d: {  	[timem:s6], [sflag:s22] =	dma.local [hbm:s4], s20  }
0x9e: {  	_ =	swait.ge [sflag:s22], s20  }
0x9f: {  	s3 =	ssub.s32 $0x0, s20;
	[sflag:s22] =	ssyncset.done $0x0  }
0xa0: {  	[sflag:s22] =	ssyncadd.s32 s3;
	_ =	sdelay $0x1  }
0xa1: {  	s23 =	simm.s32 $0x1B8B  }
0xa2: {  	_ =	swait.ge [sflag:s23], $0x1  }
0xa3: {  	[sflag:s23] =	ssyncset.done $0x0  }
0xa4: {  	s25 =	simm.s32 $0x1B8E;
	s24 =	sld [smem:$0x3FFE];
	[sflag:s23] =	ssyncadd.s32 $0xFFFFFFFF  }
0xa5: {  	s26 =	simm.s32 $execute0_lowered;
	[smem:$0x3FD2] =	sst s25  }
0xa6: {  	s4 =	sshll.u32 s26, $0x1;
	_ =	strace $0x80000046;
	[dreg:$0x1] =	wrdreg $0xFFFFFFFF  }
0xa7: {  	s28 =	simm.s32 $_size_execute0_lowered;
	s2 =	sadd.s32 s2, s4;
	[dreg:$0x0] =	wrdreg $0x0  }
0xa8: {  	s4 =	sshll.u32 s28, $0x1;
	[dreg:$0x2] =	wrdreg s2  }
0xa9: {  	[dreg:$0x3] =	wrdreg s4  }
0xaa: {  	[dreg:$0x4] =	wrdreg $0xC0  }
0xab: {  	_ =	task [dreg:s6], $0x5FFFF  }
0xac: {  	[dreg:$0x1] =	wrdreg $0xFFFFFFFF  }
0xad: {  	[dreg:$0x0] =	wrdreg $0x60  }
0xae: {  	[dreg:$0x2] =	wrdreg s24  }
0xaf: {  	[dreg:$0x3] =	wrdreg $0xA  }
0xb0: {  	_ =	task.clear_ibuf [dreg:s6], $0x4FFFF;
	_ =	strace $0x90000046  }
0xb1: {  	s29 =	simm.s32 $0xA;
	_ =	strace $0x80000048  }
0xb2: {  	_ =	swait.ge [sflag:s29], $0x1  }
0xb3: {  	[sflag:s29] =	ssyncadd.s32 $0xFFFFFFFF  }
0xb4: {  	_ =	strace $0x90000048  }
0xb5: {  	_ =	sfence  }
0xb6: {  	s30 =	sld [smem:$0x0];
	_ =	sdelay $0x2  }
0xb7: {  	s31 =	sshll.u32 s1, $0xD;
	s1 =	sshrl.u32 s1, $0x2  }
0xb8: {  	s3 =	sand.u32 $0x4000, s31;
	s1 =	sadd.s32 s1, s30  }
0xb9: {  	s0 =	sor.u32 s3, s0;
	s1 =	sshll.u32 s1, $0x11  }
0xba: {  	s0 =	sor.u32 s1, s0  }
0xbb: {  	s0 =	sadd.s32 $0x8F2B, s0  }
0xbc: {  	[sflag:s0] =	ssyncadd.remote.s32 $0x1  }
0xbd: {  	_ =	sfence.sel $0xFFFF  }
0xbe: {  	[dreg:$0x0] =	wrdreg $0xFFFFFFFF;
	(pc) =	sbr.abs _section_cstart, $3  }
0xbf: {  	[dreg:$0x1] =	wrdreg $0xFFFFFFFF  }
0xc0: {  	_ =	task.clear_ibuf [dreg:s6], $0x2FFFF;
	_ =	strace $0x9FFFFFFF  }
0xc1: {  	(tm) =	ssettm $0x7FFFFFFF  }
tec
execute0_lowered:
.L_overlay_start_1:
0x0: {  	(tag) =	ssettag $0x1  }
0x1: {  	s5 =	rddreg [dreg:$0x0];
	s0 =	stileid.u32  }
0x2: {  	s3 =	srdreg.scid;
	s1 =	rddreg [dreg:$0x1];
	s2 =	simm.s32 $0x0  }
0x3: {  	s13 =	simm.s32 $0x17C00;
	s14 =	simm.s32 $0x5;
	s15 =	simm.s32 $0x15C00  }
0x4: {  	s16 =	simm.s32 $0x19C00;
	s17 =	simm.s32 $0x1;
	s18 =	simm.s32 $0x3  }
0x5: {  	s19 =	simm.s32 $0x9E00;
	s20 =	simm.s32 $0x2;
	s21 =	simm.s32 $0x4  }
0x6: {  	s22 =	simm.s32 $0x0;
	s28 =	simm.s32 $0x0;
	s4 =	smul.u32 $0x9E00, s0  }
0x7: {  	s6 =	sand.u32 $0x1, s3;
	[smem:$0x7FF] =	sst s2;
	s3 =	sadd.s32 $0xBA00, s5  }
0x8: {  	s7 =	smul.u32 $0x9E000, s6;
	_ =	strace $0x80000047;
	s9 =	ssub.s32 $0x2, s6  }
0x9: {  	s10 =	smul.u32 $0x28000, s6;
	s26 =	sshrl.u32 s4, $0x3;
	s30 =	sshrl.u32 s9, $0x1  }
0xa: {  	s8 =	sadd.s32 s26, s5;
	s7 =	sadd.s32 s4, s7;
	s4 =	sadd.s32 $0x1A00, s5  }
0xb: {  	s12 =	ssub.s32 s9, s30;
	s31 =	sshrl.u32 s10, $0x3;
	s9 =	sor.u32 $0x4000, s10  }
0xc: {  	s29 =	sshrl.u32 s7, $0x3;
	s6 =	sadd.s32 s4, s31;
	s7 =	sadd.s32 $0x15A00, s8  }
0xd: {  	s8 =	sor.u32 $0x2000, s10;
	s11 =	sadd.s32 s29, s5;
	s5 =	sadd.s32 s3, s31  }
0xe: {  	v0 =	vimm.f32 $0.0e+00;
	s10 =	sadd.s32 $0x29600, s11;
	s11 =	smax.u32 s12, $0x1;
	s12 =	simm.s32 $0x13C00  }
.LBB2_1:
0xf: {  	[tilespmem:s12], [sflag:$0x1] =	stream.linear.gather [hbm4b:s5+s2], $0x2000, $0x38;
	[tilespmem:$0x1BC00] =	vst v63  }
0x10: {  	_ = 	snop  }
0x11: {  	[tilespmem:s13], [sflag:$0x3] =	stream.linear.gather [hbm4b:s6+s2], $0x2000, $0x38;
	[tilespmem:$0x1BC00] =	vst v63  }
0x12: {  	_ = 	snop  }
0x13: {  	[tilespmem:s2], [sflag:$0x5] =	stream.linear.gather [hbm4b:s7+s2], $0x9E00, $0x38;
	[tilespmem:$0x1BC00] =	vst v63  }
0x14: {  	_ =	swait.ge [sflag:s14], $0x9E00  }
0x15: {  	[sflag:s14] =	ssyncset.done $0x0  }
0x16: {  	s23 =	simm.s32 $0x40;
	s24 =	simm.s32 $0x0;
	[sflag:s14] =	ssyncadd.s32 $0xFFFF6200  }
.LBB2_2:
0x17: {  	p0 =	sne.s32 s23, $0x9DC0;
	[tilespmem:s24+$0x11480] =	vst v0;
	s25 =	smov.u32 s23;
	s23 =	sadd.s32 $0x40, s23  }
.Ltmp0:
0x18: {  	[tilespmem:s24+$0xED00] =	vst v0;
	(pc) =	sbr.rel @p0 .LBB2_2-.Ltmp0, $3  }
0x19: {  	[tilespmem:s24+$0x9E00] =	vst v0  }
0x1a: {  	[tilespmem:s24+$0xC580] =	vst v0;
	_ =	sdelay $0x1  }
0x1b: {  	s24 =	sshra.s32 s25, $0x2  }
0x1c: {  	[tilespmem:s24+$0x11480] =	vst v0  }
0x1d: {  	[tilespmem:s24+$0xED00] =	vst v0  }
0x1e: {  	[tilespmem:s24+$0x9E00] =	vst v0  }
0x1f: {  	s23 =	simm.s32 $0x0;
	[tilespmem:s24+$0xC580] =	vst v0;
	s24 =	simm.s32 $0x0  }
.LBB2_4:
0x20: {  	s25 =	sshll.u32 s24, $0xE  }
0x21: {  	s25 =	sadd.s32 s25, s8  }
0x22: {  	s25 =	sshrl.u32 s25, $0x3  }
0x23: {  	s26 =	sadd.s32 s3, s25  }
0x24: {  	[tilespmem:s15], [sflag:$0x2] =	stream.linear.gather [hbm4b:s26+s23], $0x2000, $0x38;
	[tilespmem:$0x1BC00] =	vst v63  }
0x25: {  	s25 =	sadd.s32 s4, s25  }
0x26: {  	[tilespmem:s16], [sflag:$0x4] =	stream.linear.gather [hbm4b:s25+s23], $0x2000, $0x38;
	[tilespmem:$0x1BC00] =	vst v63  }
0x27: {  	_ =	swait.ge [sflag:s17], $0x2000  }
0x28: {  	[sflag:s17] =	ssyncset.done $0x0  }
0x29: {  	[sflag:s17] =	ssyncadd.s32 $0xFFFFE000  }
0x2a: {  	_ =	swait.ge [sflag:s18], $0x2000  }
0x2b: {  	[sflag:s18] =	ssyncset.done $0x0  }
0x2c: {  	s31 =	simm.s32 $0x0;
	[sflag:s18] =	ssyncadd.s32 $0xFFFFE000  }
0x2d: {  	v1 =	vld [tilespmem:s31+$0x13C00]  }
0x2e: {  	v2 =	vld [tilespmem:s31+$0x13C10]  }
0x2f: {  	v3 =	vld [tilespmem:s31+$0x13C30]  }
0x30: {  	v4 =	vld [tilespmem:s31+$0x13C20]  }
0x31: {  	v5 =	vld [tilespmem:s31+$0x17C30]  }
0x32: {  	v6 =	vld [tilespmem:s31+$0x17C20]  }
0x33: {  	v8 =	vld [tilespmem:s31+$0x17C10]  }
0x34: {  	v10 =	vld [tilespmem:s31+$0x17C00];
	v7 =	vadd.s32 $0x2780, v1  }
0x35: {  	v9 =	vadd.s32 $0x4F00, v1;
	v12 =	vld.idx.msk [tilespmem:v1+s2+$0x0], $0xffff  }
0x36: {  	v11 =	vadd.s32 $0x4F00, v2;
	v14 =	vld.idx.msk [tilespmem:v2+s2+$0x0], $0xffff  }
0x37: {  	v13 =	vadd.s32 $0x7680, v2;
	v16 =	vld.idx.msk [tilespmem:v3+s2+$0x0], $0xffff  }
0x38: {  	v15 =	vadd.s32 $0x7680, v3;
	v20 =	vld.idx.msk [tilespmem:v4+s2+$0x0], $0xffff  }
0x39: {  	v17 =	vadd.s32 $0x4F00, v3;
	v7 =	vld.idx.msk [tilespmem:v7+s2+$0x0], $0xffff  }
0x3a: {  	v18 =	vadd.s32 $0x2780, v2;
	v9 =	vld.idx.msk [tilespmem:v9+s2+$0x0], $0xffff  }
0x3b: {  	v19 =	vadd.s32 $0x7680, v1;
	v11 =	vld.idx.msk [tilespmem:v11+s2+$0x0], $0xffff  }
0x3c: {  	v57 =	vadd.s32 $0x7680, v4;
	v13 =	vld.idx.msk [tilespmem:v13+s2+$0x0], $0xffff  }
0x3d: {  	v3 =	vadd.s32 $0x2780, v3;
	v1 =	vld.idx.msk [tilespmem:v15+s2+$0x0], $0xffff  }
0x3e: {  	v21 =	vadd.s32 $0x4F00, v4;
	v2 =	vld.idx.msk [tilespmem:v17+s2+$0x0], $0xffff  }
0x3f: {  	v4 =	vadd.s32 $0x2780, v4;
	v58 =	vld.idx.msk [tilespmem:v18+s2+$0x0], $0xffff  }
0x40: {  	v59 =	vld.idx.msk [tilespmem:v19+s2+$0x0], $0xffff  }
0x41: {  	v60 =	vadd.s32 $0x2780, v10;
	v15 =	vld.idx.msk [tilespmem:v57+s2+$0x0], $0xffff  }
0x42: {  	v22 =	vld.idx.msk [tilespmem:v3+s2+$0x0], $0xffff;
	v3 =	vadd.s32 $0x4F00, v10  }
0x43: {  	v23 =	vadd.s32 $0x7680, v10;
	v21 =	vld.idx.msk [tilespmem:v21+s2+$0x0], $0xffff  }
0x44: {  	v4 =	vld.idx.msk [tilespmem:v4+s2+$0x0], $0xffff  }
0x45: {  	v24 =	vadd.s32 $0x2780, v8;
	[tilespmem:v10+s19+$0x0] =	vst.idx.add.f32.msk $0xffff, v12  }
0x46: {  	v61 =	vadd.s32 $0x4F00, v8;
	[tilespmem:v60+s19+$0x0] =	vst.idx.add.f32.msk $0xffff, v7  }
0x47: {  	v7 =	vadd.s32 $0x7680, v8;
	[tilespmem:v3+s19+$0x0] =	vst.idx.add.f32.msk $0xffff, v9  }
0x48: {  	[tilespmem:v23+s19+$0x0] =	vst.idx.add.f32.msk $0xffff, v59  }
0x49: {  	v3 =	vadd.s32 $0x2780, v6;
	[tilespmem:v8+s19+$0x0] =	vst.idx.add.f32.msk $0xffff, v14  }
0x4a: {  	v62 =	vadd.s32 $0x4F00, v6;
	[tilespmem:v24+s19+$0x0] =	vst.idx.add.f32.msk $0xffff, v58  }
0x4b: {  	v63 =	vadd.s32 $0x7680, v6;
	[tilespmem:v61+s19+$0x0] =	vst.idx.add.f32.msk $0xffff, v11  }
0x4c: {  	[tilespmem:v7+s19+$0x0] =	vst.idx.add.f32.msk $0xffff, v13  }
0x4d: {  	v7 =	vadd.s32 $0x2780, v5;
	[tilespmem:v6+s19+$0x0] =	vst.idx.add.f32.msk $0xffff, v20  }
0x4e: {  	[tilespmem:v3+s19+$0x0] =	vst.idx.add.f32.msk $0xffff, v4;
	v3 =	vadd.s32 $0x4F00, v5  }
0x4f: {  	v4 =	vadd.s32 $0x7680, v5;
	[tilespmem:v62+s19+$0x0] =	vst.idx.add.f32.msk $0xffff, v21  }
0x50: {  	[tilespmem:v63+s19+$0x0] =	vst.idx.add.f32.msk $0xffff, v15  }
0x51: {  	[tilespmem:v5+s19+$0x0] =	vst.idx.add.f32.msk $0xffff, v16  }
0x52: {  	s25 =	simm.s32 $0x100;
	[tilespmem:v7+s19+$0x0] =	vst.idx.add.f32.msk $0xffff, v22  }
.LBB2_5:
0x53: {  	s26 =	sshra.s32 s25, $0x2;
	p0 =	sne.s32 s25, $0x7F00;
	s25 =	sadd.s32 $0x100, s25;
	[tilespmem:v3+s19+$0x0] =	vst.idx.add.f32.msk $0xffff, v2  }
0x54: {  	[tilespmem:v4+s19+$0x0] =	vst.idx.add.f32.msk $0xffff, v1  }
0x55: {  	v1 =	vld [tilespmem:s26+$0x13C00]  }
0x56: {  	v2 =	vld [tilespmem:s26+$0x13C10]  }
0x57: {  	v3 =	vld [tilespmem:s26+$0x13C30]  }
0x58: {  	v4 =	vld [tilespmem:s26+$0x13C20]  }
0x59: {  	v5 =	vld [tilespmem:s26+$0x17C30]  }
0x5a: {  	v6 =	vld [tilespmem:s26+$0x17C20];
	v7 =	vadd.s32 $0x2780, v1;
	v8 =	vadd.s32 $0x4F00, v1  }
0x5b: {  	v9 =	vld [tilespmem:s26+$0x17C10];
	v10 =	vadd.s32 $0x2780, v2;
	v11 =	vadd.s32 $0x4F00, v2;
	v12 =	vadd.s32 $0x7680, v2  }
0x5c: {  	v13 =	vld [tilespmem:s26+$0x17C00];
	v14 =	vadd.s32 $0x2780, v3;
	v15 =	vadd.s32 $0x4F00, v3;
	v16 =	vadd.s32 $0x7680, v3  }
0x5d: {  	v17 =	vld.idx.msk [tilespmem:v1+s2+$0x0], $0xffff;
	v18 =	vadd.s32 $0x2780, v4;
	v19 =	vadd.s32 $0x4F00, v4;
	v20 =	vadd.s32 $0x7680, v4  }
0x5e: {  	v21 =	vld.idx.msk [tilespmem:v2+s2+$0x0], $0xffff  }
0x5f: {  	v22 =	vld.idx.msk [tilespmem:v3+s2+$0x0], $0xffff  }
0x60: {  	v3 =	vld.idx.msk [tilespmem:v7+s2+$0x0], $0xffff  }
0x61: {  	v7 =	vld.idx.msk [tilespmem:v8+s2+$0x0], $0xffff  }
0x62: {  	v8 =	vld.idx.msk [tilespmem:v11+s2+$0x0], $0xffff  }
0x63: {  	v11 =	vadd.s32 $0x7680, v1;
	v12 =	vld.idx.msk [tilespmem:v12+s2+$0x0], $0xffff  }
0x64: {  	v1 =	vld.idx.msk [tilespmem:v16+s2+$0x0], $0xffff  }
0x65: {  	v4 =	vld.idx.msk [tilespmem:v4+s2+$0x0], $0xffff  }
0x66: {  	v2 =	vld.idx.msk [tilespmem:v15+s2+$0x0], $0xffff  }
0x67: {  	v10 =	vld.idx.msk [tilespmem:v10+s2+$0x0], $0xffff  }
0x68: {  	v15 =	vadd.s32 $0x2780, v13;
	v11 =	vld.idx.msk [tilespmem:v11+s2+$0x0], $0xffff  }
0x69: {  	v16 =	vadd.s32 $0x4F00, v13;
	v14 =	vld.idx.msk [tilespmem:v14+s2+$0x0], $0xffff  }
0x6a: {  	v23 =	vadd.s32 $0x7680, v13;
	v20 =	vld.idx.msk [tilespmem:v20+s2+$0x0], $0xffff  }
0x6b: {  	v19 =	vld.idx.msk [tilespmem:v19+s2+$0x0], $0xffff  }
0x6c: {  	v24 =	vadd.s32 $0x2780, v9;
	v18 =	vld.idx.msk [tilespmem:v18+s2+$0x0], $0xffff  }
0x6d: {  	[tilespmem:v13+s19+$0x0] =	vst.idx.add.f32.msk $0xffff, v17;
	v13 =	vadd.s32 $0x4F00, v9  }
0x6e: {  	[tilespmem:v15+s19+$0x0] =	vst.idx.add.f32.msk $0xffff, v3;
	v3 =	vadd.s32 $0x7680, v9  }
0x6f: {  	[tilespmem:v16+s19+$0x0] =	vst.idx.add.f32.msk $0xffff, v7  }
0x70: {  	v7 =	vadd.s32 $0x2780, v6;
	[tilespmem:v23+s19+$0x0] =	vst.idx.add.f32.msk $0xffff, v11  }
0x71: {  	[tilespmem:v9+s19+$0x0] =	vst.idx.add.f32.msk $0xffff, v21;
	v9 =	vadd.s32 $0x4F00, v6  }
0x72: {  	[tilespmem:v24+s19+$0x0] =	vst.idx.add.f32.msk $0xffff, v10;
	v10 =	vadd.s32 $0x7680, v6  }
0x73: {  	[tilespmem:v13+s19+$0x0] =	vst.idx.add.f32.msk $0xffff, v8  }
0x74: {  	v8 =	vadd.s32 $0x2780, v5;
	[tilespmem:v3+s19+$0x0] =	vst.idx.add.f32.msk $0xffff, v12  }
0x75: {  	v3 =	vadd.s32 $0x4F00, v5;
	[tilespmem:v6+s19+$0x0] =	vst.idx.add.f32.msk $0xffff, v4  }
.Ltmp1:
0x76: {  	v4 =	vadd.s32 $0x7680, v5;
	[tilespmem:v7+s19+$0x0] =	vst.idx.add.f32.msk $0xffff, v18;
	(pc) =	sbr.rel @p0 .LBB2_5-.Ltmp1, $4  }
0x77: {  	[tilespmem:v9+s19+$0x0] =	vst.idx.add.f32.msk $0xffff, v19  }
0x78: {  	[tilespmem:v10+s19+$0x0] =	vst.idx.add.f32.msk $0xffff, v20  }
0x79: {  	[tilespmem:v5+s19+$0x0] =	vst.idx.add.f32.msk $0xffff, v22  }
0x7a: {  	[tilespmem:v8+s19+$0x0] =	vst.idx.add.f32.msk $0xffff, v14  }
0x7b: {  	s25 =	sshll.u32 s24, $0x1  }
0x7c: {  	s25 =	smin.u32 s25, $0x11  }
0x7d: {  	s25 =	sshll.u32 s25, $0xD  }
0x7e: {  	s25 =	sadd.s32 s25, s9  }
0x7f: {  	[tilespmem:v3+s19+$0x0] =	vst.idx.add.f32.msk $0xffff, v2;
	s25 =	sshrl.u32 s25, $0x3  }
0x80: {  	[tilespmem:v4+s19+$0x0] =	vst.idx.add.f32.msk $0xffff, v1;
	s26 =	sadd.s32 s3, s25  }
0x81: {  	[tilespmem:s12], [sflag:$0x1] =	stream.linear.gather [hbm4b:s26+s28], $0x2000, $0x38;
	[tilespmem:$0x1BC00] =	vst v63  }
0x82: {  	s25 =	sadd.s32 s4, s25  }
0x83: {  	[tilespmem:s13], [sflag:$0x3] =	stream.linear.gather [hbm4b:s25+s28], $0x2000, $0x38;
	[tilespmem:$0x1BC00] =	vst v63  }
0x84: {  	_ =	swait.ge [sflag:s20], $0x2000  }
0x85: {  	[sflag:s20] =	ssyncset.done $0x0  }
0x86: {  	[sflag:s20] =	ssyncadd.s32 $0xFFFFE000  }
0x87: {  	_ =	swait.ge [sflag:s21], $0x2000  }
0x88: {  	[sflag:s21] =	ssyncset.done $0x0  }
0x89: {  	s31 =	simm.s32 $0x0;
	[sflag:s21] =	ssyncadd.s32 $0xFFFFE000  }
0x8a: {  	v1 =	vld [tilespmem:s31+$0x15C00]  }
0x8b: {  	v2 =	vld [tilespmem:s31+$0x15C10]  }
0x8c: {  	v3 =	vld [tilespmem:s31+$0x15C30]  }
0x8d: {  	v4 =	vld [tilespmem:s31+$0x15C20]  }
0x8e: {  	v5 =	vld [tilespmem:s31+$0x19C30]  }
0x8f: {  	v6 =	vld [tilespmem:s31+$0x19C20]  }
0x90: {  	v8 =	vld [tilespmem:s31+$0x19C10]  }
0x91: {  	v10 =	vld [tilespmem:s31+$0x19C00];
	v7 =	vadd.s32 $0x2780, v1  }
0x92: {  	v9 =	vadd.s32 $0x4F00, v1;
	v12 =	vld.idx.msk [tilespmem:v1+s2+$0x0], $0xffff  }
0x93: {  	v11 =	vadd.s32 $0x4F00, v2;
	v14 =	vld.idx.msk [tilespmem:v2+s2+$0x0], $0xffff  }
0x94: {  	v13 =	vadd.s32 $0x7680, v2;
	v16 =	vld.idx.msk [tilespmem:v3+s2+$0x0], $0xffff  }
0x95: {  	v15 =	vadd.s32 $0x7680, v3;
	v20 =	vld.idx.msk [tilespmem:v4+s2+$0x0], $0xffff  }
0x96: {  	v17 =	vadd.s32 $0x4F00, v3;
	v7 =	vld.idx.msk [tilespmem:v7+s2+$0x0], $0xffff  }
0x97: {  	v18 =	vadd.s32 $0x2780, v2;
	v9 =	vld.idx.msk [tilespmem:v9+s2+$0x0], $0xffff  }
0x98: {  	v19 =	vadd.s32 $0x7680, v1;
	v11 =	vld.idx.msk [tilespmem:v11+s2+$0x0], $0xffff  }
0x99: {  	v57 =	vadd.s32 $0x7680, v4;
	v13 =	vld.idx.msk [tilespmem:v13+s2+$0x0], $0xffff  }
0x9a: {  	v3 =	vadd.s32 $0x2780, v3;
	v1 =	vld.idx.msk [tilespmem:v15+s2+$0x0], $0xffff  }
0x9b: {  	v21 =	vadd.s32 $0x4F00, v4;
	v2 =	vld.idx.msk [tilespmem:v17+s2+$0x0], $0xffff  }
0x9c: {  	v4 =	vadd.s32 $0x2780, v4;
	v58 =	vld.idx.msk [tilespmem:v18+s2+$0x0], $0xffff  }
0x9d: {  	v59 =	vld.idx.msk [tilespmem:v19+s2+$0x0], $0xffff  }
0x9e: {  	v60 =	vadd.s32 $0x2780, v10;
	v15 =	vld.idx.msk [tilespmem:v57+s2+$0x0], $0xffff  }
0x9f: {  	v22 =	vld.idx.msk [tilespmem:v3+s2+$0x0], $0xffff;
	v3 =	vadd.s32 $0x4F00, v10  }
0xa0: {  	v23 =	vadd.s32 $0x7680, v10;
	v21 =	vld.idx.msk [tilespmem:v21+s2+$0x0], $0xffff  }
0xa1: {  	v4 =	vld.idx.msk [tilespmem:v4+s2+$0x0], $0xffff  }
0xa2: {  	v24 =	vadd.s32 $0x2780, v8;
	[tilespmem:v10+s19+$0x0] =	vst.idx.add.f32.msk $0xffff, v12  }
0xa3: {  	v61 =	vadd.s32 $0x4F00, v8;
	[tilespmem:v60+s19+$0x0] =	vst.idx.add.f32.msk $0xffff, v7  }
0xa4: {  	v7 =	vadd.s32 $0x7680, v8;
	[tilespmem:v3+s19+$0x0] =	vst.idx.add.f32.msk $0xffff, v9  }
0xa5: {  	[tilespmem:v23+s19+$0x0] =	vst.idx.add.f32.msk $0xffff, v59  }
0xa6: {  	v3 =	vadd.s32 $0x2780, v6;
	[tilespmem:v8+s19+$0x0] =	vst.idx.add.f32.msk $0xffff, v14  }
0xa7: {  	v62 =	vadd.s32 $0x4F00, v6;
	[tilespmem:v24+s19+$0x0] =	vst.idx.add.f32.msk $0xffff, v58  }
0xa8: {  	v63 =	vadd.s32 $0x7680, v6;
	[tilespmem:v61+s19+$0x0] =	vst.idx.add.f32.msk $0xffff, v11  }
0xa9: {  	[tilespmem:v7+s19+$0x0] =	vst.idx.add.f32.msk $0xffff, v13  }
0xaa: {  	v7 =	vadd.s32 $0x2780, v5;
	[tilespmem:v6+s19+$0x0] =	vst.idx.add.f32.msk $0xffff, v20  }
0xab: {  	[tilespmem:v3+s19+$0x0] =	vst.idx.add.f32.msk $0xffff, v4;
	v3 =	vadd.s32 $0x4F00, v5  }
0xac: {  	v4 =	vadd.s32 $0x7680, v5;
	[tilespmem:v62+s19+$0x0] =	vst.idx.add.f32.msk $0xffff, v21  }
0xad: {  	[tilespmem:v63+s19+$0x0] =	vst.idx.add.f32.msk $0xffff, v15  }
0xae: {  	[tilespmem:v5+s19+$0x0] =	vst.idx.add.f32.msk $0xffff, v16  }
0xaf: {  	s25 =	simm.s32 $0x100;
	[tilespmem:v7+s19+$0x0] =	vst.idx.add.f32.msk $0xffff, v22  }
.LBB2_7:
0xb0: {  	s26 =	sshra.s32 s25, $0x2;
	p0 =	sne.s32 s25, $0x7F00;
	s25 =	sadd.s32 $0x100, s25;
	[tilespmem:v3+s19+$0x0] =	vst.idx.add.f32.msk $0xffff, v2  }
0xb1: {  	[tilespmem:v4+s19+$0x0] =	vst.idx.add.f32.msk $0xffff, v1  }
0xb2: {  	v1 =	vld [tilespmem:s26+$0x15C00]  }
0xb3: {  	v2 =	vld [tilespmem:s26+$0x15C10]  }
0xb4: {  	v3 =	vld [tilespmem:s26+$0x15C30]  }
0xb5: {  	v4 =	vld [tilespmem:s26+$0x15C20]  }
0xb6: {  	v5 =	vld [tilespmem:s26+$0x19C30]  }
0xb7: {  	v6 =	vld [tilespmem:s26+$0x19C20];
	v7 =	vadd.s32 $0x2780, v1;
	v8 =	vadd.s32 $0x4F00, v1  }
0xb8: {  	v9 =	vld [tilespmem:s26+$0x19C10];
	v10 =	vadd.s32 $0x2780, v2;
	v11 =	vadd.s32 $0x4F00, v2;
	v12 =	vadd.s32 $0x7680, v2  }
0xb9: {  	v13 =	vld [tilespmem:s26+$0x19C00];
	v14 =	vadd.s32 $0x2780, v3;
	v15 =	vadd.s32 $0x4F00, v3;
	v16 =	vadd.s32 $0x7680, v3  }
0xba: {  	v17 =	vld.idx.msk [tilespmem:v1+s2+$0x0], $0xffff;
	v18 =	vadd.s32 $0x2780, v4;
	v19 =	vadd.s32 $0x4F00, v4;
	v20 =	vadd.s32 $0x7680, v4  }
0xbb: {  	v21 =	vld.idx.msk [tilespmem:v2+s2+$0x0], $0xffff  }
0xbc: {  	v22 =	vld.idx.msk [tilespmem:v3+s2+$0x0], $0xffff  }
0xbd: {  	v3 =	vld.idx.msk [tilespmem:v7+s2+$0x0], $0xffff  }
0xbe: {  	v7 =	vld.idx.msk [tilespmem:v8+s2+$0x0], $0xffff  }
0xbf: {  	v8 =	vld.idx.msk [tilespmem:v11+s2+$0x0], $0xffff  }
0xc0: {  	v11 =	vadd.s32 $0x7680, v1;
	v12 =	vld.idx.msk [tilespmem:v12+s2+$0x0], $0xffff  }
0xc1: {  	v1 =	vld.idx.msk [tilespmem:v16+s2+$0x0], $0xffff  }
0xc2: {  	v4 =	vld.idx.msk [tilespmem:v4+s2+$0x0], $0xffff  }
0xc3: {  	v2 =	vld.idx.msk [tilespmem:v15+s2+$0x0], $0xffff  }
0xc4: {  	v10 =	vld.idx.msk [tilespmem:v10+s2+$0x0], $0xffff  }
0xc5: {  	v15 =	vadd.s32 $0x2780, v13;
	v11 =	vld.idx.msk [tilespmem:v11+s2+$0x0], $0xffff  }
0xc6: {  	v16 =	vadd.s32 $0x4F00, v13;
	v14 =	vld.idx.msk [tilespmem:v14+s2+$0x0], $0xffff  }
0xc7: {  	v23 =	vadd.s32 $0x7680, v13;
	v20 =	vld.idx.msk [tilespmem:v20+s2+$0x0], $0xffff  }
0xc8: {  	v19 =	vld.idx.msk [tilespmem:v19+s2+$0x0], $0xffff  }
0xc9: {  	v24 =	vadd.s32 $0x2780, v9;
	v18 =	vld.idx.msk [tilespmem:v18+s2+$0x0], $0xffff  }
0xca: {  	[tilespmem:v13+s19+$0x0] =	vst.idx.add.f32.msk $0xffff, v17;
	v13 =	vadd.s32 $0x4F00, v9  }
0xcb: {  	[tilespmem:v15+s19+$0x0] =	vst.idx.add.f32.msk $0xffff, v3;
	v3 =	vadd.s32 $0x7680, v9  }
0xcc: {  	[tilespmem:v16+s19+$0x0] =	vst.idx.add.f32.msk $0xffff, v7  }
0xcd: {  	v7 =	vadd.s32 $0x2780, v6;
	[tilespmem:v23+s19+$0x0] =	vst.idx.add.f32.msk $0xffff, v11  }
0xce: {  	[tilespmem:v9+s19+$0x0] =	vst.idx.add.f32.msk $0xffff, v21;
	v9 =	vadd.s32 $0x4F00, v6  }
0xcf: {  	[tilespmem:v24+s19+$0x0] =	vst.idx.add.f32.msk $0xffff, v10;
	v10 =	vadd.s32 $0x7680, v6  }
0xd0: {  	[tilespmem:v13+s19+$0x0] =	vst.idx.add.f32.msk $0xffff, v8  }
0xd1: {  	v8 =	vadd.s32 $0x2780, v5;
	[tilespmem:v3+s19+$0x0] =	vst.idx.add.f32.msk $0xffff, v12  }
0xd2: {  	v3 =	vadd.s32 $0x4F00, v5;
	[tilespmem:v6+s19+$0x0] =	vst.idx.add.f32.msk $0xffff, v4  }
.Ltmp2:
0xd3: {  	v4 =	vadd.s32 $0x7680, v5;
	[tilespmem:v7+s19+$0x0] =	vst.idx.add.f32.msk $0xffff, v18;
	(pc) =	sbr.rel @p0 .LBB2_7-.Ltmp2, $4  }
0xd4: {  	[tilespmem:v9+s19+$0x0] =	vst.idx.add.f32.msk $0xffff, v19  }
0xd5: {  	[tilespmem:v10+s19+$0x0] =	vst.idx.add.f32.msk $0xffff, v20  }
0xd6: {  	[tilespmem:v5+s19+$0x0] =	vst.idx.add.f32.msk $0xffff, v22  }
0xd7: {  	[tilespmem:v8+s19+$0x0] =	vst.idx.add.f32.msk $0xffff, v14  }
0xd8: {  	s24 =	sadd.s32 $0x1, s24  }
0xd9: {  	p0 =	sne.s32 s24, $0xA  }
.Ltmp3:
0xda: {  	_ = 	snop;
	(pc) =	sbr.rel @p0 .LBB2_4-.Ltmp3, $3  }
0xdb: {  	_ =	sdelay $0x1  }
0xdc: {  	[tilespmem:v3+s19+$0x0] =	vst.idx.add.f32.msk $0xffff, v2  }
0xdd: {  	[tilespmem:v4+s19+$0x0] =	vst.idx.add.f32.msk $0xffff, v1  }
0xde: {  	_ =	swait.ge [sflag:s17], $0x2000  }
0xdf: {  	[sflag:s17] =	ssyncset.done $0x0  }
0xe0: {  	[sflag:s17] =	ssyncadd.s32 $0xFFFFE000  }
0xe1: {  	s22 =	sadd.s32 $0x1, s22;
	_ =	swait.ge [sflag:s18], $0x2000  }
0xe2: {  	p0 =	sne.s32 s22, s11;
	[sflag:s18] =	ssyncset.done $0x0  }
.Ltmp4:
0xe3: {  	[sflag:s18] =	ssyncadd.s32 $0xFFFFE000;
	(pc) =	sbr.rel @p0 .LBB2_1-.Ltmp4, $4  }
0xe4: {  	[hbm4b:s10+s2] =	stream.linear.scatter [tilespmem:s19], [sflag:$0x5], $0x9E00, $0x38;
	[tilespmem:$0x1BC00] =	vst v63  }
0xe5: {  	_ =	swait.ge [sflag:s14], $0x9E00  }
0xe6: {  	[sflag:s14] =	ssyncset.done $0x0  }
0xe7: {  	[sflag:s14] =	ssyncadd.s32 $0xFFFF6200  }
0xe8: {  	_ =	sfence.sel $0x180000  }
0xe9: {  	[bflag:$0x0] =	sbarrier.arrive $0xFFFF  }
0xea: {  	p0 =	sne.s32 s0, $0x0;
	_ =	strace $0x90000047  }
0xeb: {  	s0 =	sadd.s32 @!p0 $0x100000, s1;
	[bflag:$0x2] =	sbarrier.arrive $0xFFFF  }
0xec: {  	[sflag:s0] =	ssyncadd.tile.s32 @!p0 $0x1;
	_ =	shalt  }
.Lfunc_end2:
_tile_overlayer_lowered:
.L_overlay_start_2:
0xed: {  	(tag) =	ssettag $0x2  }
0xee: {  	s0 =	rddreg [dreg:$0x0];
	s2 =	stileid.u32  }
0xef: {  	s1 =	rddreg [dreg:$0x1];
	p0 =	sne.s32 s2, $0x0  }
0xf0: {  	s3 =	rddreg [dreg:$0x2];
	[bflag:$0x3] =	sbarrier.arrive $0xFFFF;
	s2 =	simm.s32 @!p0 $0x1C05  }
0xf1: {  	[timem:s3], [sflag:s2] =	dma.local @!p0 [hbm:s0], s1  }
0xf2: {  	s0 =	simm.s32 @!p0 $0x5  }
0xf3: {  	_ =	swait.ge @!p0 [sflag:s0], s1  }
0xf4: {  	s1 =	ssub.s32 @!p0 $0x0, s1;
	[sflag:s0] =	ssyncset.done @!p0 $0x0  }
0xf5: {  	[sflag:s0] =	ssyncadd.s32 @!p0 s1  }
0xf6: {  	[bflag:$0x3] =	sbarrier.arrive $0xFFFF  }
0xf7: {  	_ =	shalt  }

// kernel: kernel.14.cloned.1.call-start
scs
__scs_entry_jumppad:
0x0: {  	(pc) =	sbr.rel $0x88, $3  }
0x1: {  	(tag) =	ssettag $0x0;
	lr =	simm.s32 $0x1  }
0x2: {  	[smem:$0x3F97] =	sst lr;
	_ =	strace $0xD0000000  }
0x3: {  	_ = 	snop  }
0x4: {  	_ = 	snop  }
0x5: {  	_ = 	snop  }
0x6: {  	_ = 	snop  }
0x7: {  	_ = 	snop  }
__scs_overlays_trampoline_lowered:
0x8: {  	[smem:$0x3FA6] =	sst s0  }
0x9: {  	[smem:$0x3FA7] =	sst s1  }
0xa: {  	[smem:$0x3FA8] =	sst s2  }
0xb: {  	[smem:$0x3FA9] =	sst s3  }
0xc: {  	[smem:$0x3FAA] =	sst s4  }
0xd: {  	[smem:$0x3FAB] =	sst s5  }
0xe: {  	[smem:$0x3FAC] =	sst s6  }
0xf: {  	[smem:$0x3FAD] =	sst s7  }
0x10: {  	[smem:$0x3FAE] =	sst s8  }
0x11: {  	[smem:$0x3FAF] =	sst s9;
	s0 =	simm.s32 @!p0 $0x0  }
0x12: {  	s1 =	sld [smem:$0x3F95];
	s0 =	simm.s32 @p0 $0x1  }
0x13: {  	[smem:$0x3FB0] =	sst s0;
	s0 =	simm.s32 @!p1 $0x0  }
0x14: {  	s2 =	sld [smem:$0x3F94];
	s0 =	simm.s32 @p1 $0x1  }
0x15: {  	[smem:$0x3FB1] =	sst s0;
	s0 =	simm.s32 @!p2 $0x0  }
0x16: {  	s3 =	sld [smem:$0x3FDB];
	s0 =	simm.s32 @p2 $0x1  }
0x17: {  	s4 =	simm.s32 $0x1BF5;
	[smem:$0x3FB3] =	sst s0  }
0x18: {  	s0 =	sld [smem:$0x3F96];
	_ =	swait.ge [sflag:s4], $0x0  }
0x19: {  	s7 =	sld [smem:$0x3F97]  }
0x1a: {  	s8 =	sadd.s32 $0xFFFFE003, lr  }
0x1b: {  	s9 =	sadd.s32 $0xFFFFFEF7, lr;
	s5 =	simm.s32 $0xFFFFFFFF;
	p2 =	slt.u32 s8, $0xFFFFF086  }
0x1c: {  	p1 =	slt.u32 s9, $0xF7A;
	s5 =	simm.s32 @!p2 $0x0  }
0x1d: {  	s5 =	simm.s32 @p1 $0x1;
	p0 =	seq.s32 s7, s2  }
0x1e: {  	s7 =	smul.u32 @!p0 $0xF7A, s2;
	p2 =	seq.s32 @!p0 s5, $0x0  }
0x1f: {  	s9 =	smul.u32 $0xF7A, s1;
	s8 =	simm.s32 @!p0 $0x1BF5;
	p2 =	por !p2, p0  }
0x20: {  	[sflag:s8] =	ssyncset.s32 @!p0 $0xFFFFF086;
	s6 =	sadd.s32 @!p0 s3, s7;
	s7 =	simm.s32 @!p0 $0x108  }
0x21: {  	s3 =	sadd.s32 s3, s9;
	s6 =	sadd.s32 @!p0 $0x88, s6;
	s7 =	simm.s32 @p2 $0x1082  }
0x22: {  	[simem:s7], [sflag:s8] =	dma.local @!p0 [hbm:s6], $0xF7A  }
0x23: {  	s9 =	sor.u32 $0xD0000000, s2;
	s6 =	simm.s32 $0x108;
	_ =	swait.ge @!p0 [sflag:s8], $0x0  }
0x24: {  	s3 =	sadd.s32 $0x88, s3;
	s6 =	simm.s32 @!p1 $0x1082;
	[sflag:s4] =	ssyncset.s32 $0xFFFFF086  }
0x25: {  	[simem:s6], [sflag:s4] =	dma.local [hbm:s3], $0xF7A  }
0x26: {  	[smem:$0x3F97] =	sst s1;
	(tag) =	ssettag s2;
	_ =	strace s9  }
0x27: {  	s1 =	sld [smem:$0x3FA7]  }
0x28: {  	s2 =	sld [smem:$0x3FA8]  }
0x29: {  	s4 =	sld [smem:$0x3FAA]  }
0x2a: {  	p0 =	seq.s32 s5, $0x0;
	s5 =	sld [smem:$0x3FAB]  }
0x2b: {  	s6 =	sld [smem:$0x3FAC]  }
0x2c: {  	s7 =	sld [smem:$0x3FAD]  }
0x2d: {  	s3 =	simm.s32 $0x108;
	s8 =	sld [smem:$0x3FAE]  }
0x2e: {  	s3 =	simm.s32 @!p0 $0x1082;
	s9 =	sld [smem:$0x3FAF]  }
0x2f: {  	lr =	sadd.s32 s0, s3;
	s0 =	sld [smem:$0x3FA6]  }
0x30: {  	s3 =	sld [smem:$0x3FA9]  }
0x31: {  	[smem:$0x3FB2] =	sst s10  }
0x32: {  	s10 =	sld [smem:$0x3FB0];
	_ =	sdelay $0x3  }
0x33: {  	p0 =	seq.s32 s10, $0x1;
	s10 =	sld [smem:$0x3FB2];
	_ =	sdelay $0x3  }
0x34: {  	[smem:$0x3FB2] =	sst s10  }
0x35: {  	s10 =	sld [smem:$0x3FB1];
	_ =	sdelay $0x3  }
0x36: {  	p1 =	seq.s32 s10, $0x1;
	s10 =	sld [smem:$0x3FB2];
	_ =	sdelay $0x3  }
0x37: {  	[smem:$0x3FB2] =	sst s10  }
0x38: {  	s10 =	sld [smem:$0x3FB3]  }
0x39: {  	_ = 	snop;
	(pc) =	sbr.ind lr, $3  }
0x3a: {  	_ = 	snop  }
0x3b: {  	_ = 	snop  }
0x3c: {  	p2 =	seq.s32 s10, $0x1;
	s10 =	sld [smem:$0x3FB2]  }
0x3d: {  	_ =	shalt  }
0x3e: {  	_ =	shalt  }
0x3f: {  	_ =	shalt  }
0x40: {  	_ =	shalt  }
0x41: {  	_ =	shalt  }
0x42: {  	_ =	shalt  }
0x43: {  	_ =	shalt  }
0x44: {  	_ =	shalt  }
0x45: {  	_ =	shalt  }
0x46: {  	_ =	shalt  }
0x47: {  	_ =	shalt  }
0x48: {  	_ =	shalt  }
0x49: {  	_ =	shalt  }
0x4a: {  	_ =	shalt  }
0x4b: {  	_ =	shalt  }
0x4c: {  	_ =	shalt  }
0x4d: {  	_ =	shalt  }
0x4e: {  	_ =	shalt  }
0x4f: {  	_ =	shalt  }
0x50: {  	_ =	shalt  }
0x51: {  	_ =	shalt  }
0x52: {  	_ =	shalt  }
0x53: {  	_ =	shalt  }
0x54: {  	_ =	shalt  }
0x55: {  	_ =	shalt  }
0x56: {  	_ =	shalt  }
0x57: {  	_ =	shalt  }
0x58: {  	_ =	shalt  }
0x59: {  	_ =	shalt  }
0x5a: {  	_ =	shalt  }
0x5b: {  	_ =	shalt  }
0x5c: {  	_ =	shalt  }
0x5d: {  	_ =	shalt  }
0x5e: {  	_ =	shalt  }
0x5f: {  	_ =	shalt  }
0x60: {  	_ =	shalt  }
0x61: {  	_ =	shalt  }
0x62: {  	_ =	shalt  }
0x63: {  	_ =	shalt  }
0x64: {  	_ =	shalt  }
0x65: {  	_ =	shalt  }
0x66: {  	_ =	shalt  }
0x67: {  	_ =	shalt  }
0x68: {  	_ =	shalt  }
0x69: {  	_ =	shalt  }
0x6a: {  	_ =	shalt  }
0x6b: {  	_ =	shalt  }
0x6c: {  	_ =	shalt  }
0x6d: {  	_ =	shalt  }
0x6e: {  	_ =	shalt  }
0x6f: {  	_ =	shalt  }
0x70: {  	_ =	shalt  }
0x71: {  	_ =	shalt  }
0x72: {  	_ =	shalt  }
0x73: {  	_ =	shalt  }
0x74: {  	_ =	shalt  }
0x75: {  	_ =	shalt  }
0x76: {  	_ =	shalt  }
0x77: {  	_ =	shalt  }
0x78: {  	_ =	shalt  }
0x79: {  	_ =	shalt  }
0x7a: {  	_ =	shalt  }
0x7b: {  	_ =	shalt  }
0x7c: {  	_ =	shalt  }
0x7d: {  	_ =	shalt  }
0x7e: {  	_ =	shalt  }
0x7f: {  	_ =	shalt  }
0x80: {  	_ =	shalt  }
0x81: {  	_ =	shalt  }
0x82: {  	_ =	shalt  }
0x83: {  	_ =	shalt  }
0x84: {  	_ =	shalt  }
0x85: {  	_ =	shalt  }
0x86: {  	_ =	shalt  }
0x87: {  	_ =	shalt  }
.Lfunc_end0:
.L_simem_size_0:
called_computation.2_lowered:
.L_overlay_start_0:
0x88: {  	s2 =	sld [smem:$0x3FD9]  }
0x89: {  	s3 =	sld [smem:$0x3FFE];
	_ =	sdelay $0x1  }
0x8a: {  	s1 =	srdreg.scid  }
0x8b: {  	s0 =	sand.u32 $0x1, s1  }
0x8c: {  	s16 =	sshll.u32 s0, $0xA;
	s2 =	sadd.s32 s3, s2  }
0x8d: {  	s2 =	sadd.s32 s2, s16  }
0x8e: {  	[smem:$0x3FBE] =	sst s2  }
0x8f: {  	_ = 	snop  }
0x90: {  	(tm) =	ssettm $0x1  }
0x91: {  	s17 =	sld [smem:$0x3FFB];
	_ =	sdelay $0x3  }
0x92: {  	_ =	strace s17  }
0x93: {  	s2 =	sld [smem:$0x3FFC];
	_ =	sdelay $0x3  }
0x94: {  	_ =	strace s2  }
0x95: {  	s2 =	sld [smem:$0x3FFD];
	_ =	sdelay $0x3  }
0x96: {  	_ =	strace s2  }
0x97: {  	_ =	strace $0x8FFFFFFF  }
0x98: {  	s18 =	sld [smem:$0x3FDB];
	_ =	sdelay $0x1  }
0x99: {  	s19 =	simm.s32 $_scs_section_size  }
0x9a: {  	s4 =	simm.s32 $_size__tile_overlayer_lowered;
	s5 =	simm.s32 $_tile_overlayer_lowered  }
0x9b: {  	s22 =	simm.s32 $0x1BFF;
	s21 =	sshll.u32 s5, $0x1;
	s2 =	sadd.s32 s19, s18  }
0x9c: {  	s6 =	simm.s32 $0x0;
	s20 =	sshll.u32 s4, $0x1;
	s4 =	sadd.s32 s21, s2  }
0x9d: {  	[timem:s6], [sflag:s22] =	dma.local [hbm:s4], s20  }
0x9e: {  	_ =	swait.ge [sflag:s22], s20  }
0x9f: {  	s3 =	ssub.s32 $0x0, s20;
	[sflag:s22] =	ssyncset.done $0x0  }
0xa0: {  	[sflag:s22] =	ssyncadd.s32 s3;
	_ =	sdelay $0x1  }
0xa1: {  	s23 =	simm.s32 $0x1B8B  }
0xa2: {  	_ =	swait.ge [sflag:s23], $0x1  }
0xa3: {  	[sflag:s23] =	ssyncset.done $0x0  }
0xa4: {  	s25 =	simm.s32 $0x1B8E;
	s24 =	sld [smem:$0x3FFE];
	[sflag:s23] =	ssyncadd.s32 $0xFFFFFFFF  }
0xa5: {  	s26 =	simm.s32 $execute0_lowered;
	[smem:$0x3FD2] =	sst s25  }
0xa6: {  	s4 =	sshll.u32 s26, $0x1;
	_ =	strace $0x8000004C;
	[dreg:$0x1] =	wrdreg $0xFFFFFFFF  }
0xa7: {  	s28 =	simm.s32 $_size_execute0_lowered;
	s2 =	sadd.s32 s2, s4;
	[dreg:$0x0] =	wrdreg $0x0  }
0xa8: {  	s4 =	sshll.u32 s28, $0x1;
	[dreg:$0x2] =	wrdreg s2  }
0xa9: {  	[dreg:$0x3] =	wrdreg s4  }
0xaa: {  	[dreg:$0x4] =	wrdreg $0xC0  }
0xab: {  	_ =	task [dreg:s6], $0x5FFFF  }
0xac: {  	[dreg:$0x1] =	wrdreg $0xFFFFFFFF  }
0xad: {  	[dreg:$0x0] =	wrdreg $0x60  }
0xae: {  	[dreg:$0x2] =	wrdreg s24  }
0xaf: {  	[dreg:$0x3] =	wrdreg $0x9  }
0xb0: {  	_ =	task.clear_ibuf [dreg:s6], $0x4FFFF;
	_ =	strace $0x9000004C  }
0xb1: {  	s29 =	simm.s32 $0x9;
	_ =	strace $0x8000004E  }
0xb2: {  	_ =	swait.ge [sflag:s29], $0x1  }
0xb3: {  	[sflag:s29] =	ssyncadd.s32 $0xFFFFFFFF  }
0xb4: {  	_ =	strace $0x9000004E  }
0xb5: {  	_ =	sfence  }
0xb6: {  	s30 =	sld [smem:$0x0];
	_ =	sdelay $0x2  }
0xb7: {  	s31 =	sshll.u32 s1, $0xD;
	s1 =	sshrl.u32 s1, $0x2  }
0xb8: {  	s3 =	sand.u32 $0x4000, s31;
	s1 =	sadd.s32 s1, s30  }
0xb9: {  	s0 =	sor.u32 s3, s0;
	s1 =	sshll.u32 s1, $0x11  }
0xba: {  	s0 =	sor.u32 s1, s0  }
0xbb: {  	s0 =	sadd.s32 $0x8F2B, s0  }
0xbc: {  	[sflag:s0] =	ssyncadd.remote.s32 $0x1  }
0xbd: {  	_ =	sfence.sel $0xFFFF  }
0xbe: {  	[dreg:$0x0] =	wrdreg $0xFFFFFFFF;
	(pc) =	sbr.abs _section_cstart, $3  }
0xbf: {  	[dreg:$0x1] =	wrdreg $0xFFFFFFFF  }
0xc0: {  	_ =	task.clear_ibuf [dreg:s6], $0x2FFFF;
	_ =	strace $0x9FFFFFFF  }
0xc1: {  	(tm) =	ssettm $0x7FFFFFFF  }
tec
execute0_lowered:
.L_overlay_start_1:
0x0: {  	(tag) =	ssettag $0x1  }
0x1: {  	s5 =	rddreg [dreg:$0x0];
	s0 =	stileid.u32  }
0x2: {  	s3 =	srdreg.scid;
	s1 =	rddreg [dreg:$0x1];
	s2 =	simm.s32 $0x0  }
0x3: {  	s13 =	simm.s32 $0xDE00;
	s14 =	simm.s32 $0x5;
	s15 =	simm.s32 $0xBE00  }
0x4: {  	s16 =	simm.s32 $0xFE00;
	s17 =	simm.s32 $0x1;
	s18 =	simm.s32 $0x3  }
0x5: {  	s19 =	simm.s32 $0x4F00;
	s20 =	simm.s32 $0x2;
	s21 =	simm.s32 $0x4  }
0x6: {  	s22 =	simm.s32 $0x0;
	s28 =	simm.s32 $0x0;
	s4 =	smul.u32 $0x4F00, s0  }
0x7: {  	s6 =	sand.u32 $0x1, s3;
	[smem:$0x7FF] =	sst s2;
	s3 =	sadd.s32 $0xBA00, s5  }
0x8: {  	s7 =	smul.u32 $0x4F000, s6;
	_ =	strace $0x8000004D;
	s9 =	ssub.s32 $0x2, s6  }
0x9: {  	s10 =	smul.u32 $0x28000, s6;
	s26 =	sshrl.u32 s4, $0x3;
	s30 =	sshrl.u32 s9, $0x1  }
0xa: {  	s8 =	sadd.s32 s26, s5;
	s7 =	sadd.s32 s4, s7;
	s4 =	sadd.s32 $0x1A00, s5  }
0xb: {  	s12 =	ssub.s32 s9, s30;
	s31 =	sshrl.u32 s10, $0x3;
	s9 =	sor.u32 $0x4000, s10  }
0xc: {  	s29 =	sshrl.u32 s7, $0x3;
	s6 =	sadd.s32 s4, s31;
	s7 =	sadd.s32 $0x15A00, s8  }
0xd: {  	s8 =	sor.u32 $0x2000, s10;
	s11 =	sadd.s32 s29, s5;
	s5 =	sadd.s32 s3, s31  }
0xe: {  	v0 =	vimm.f32 $0.0e+00;
	s10 =	sadd.s32 $0x1F800, s11;
	s11 =	smax.u32 s12, $0x1;
	s12 =	simm.s32 $0x9E00  }
.LBB2_1:
0xf: {  	[tilespmem:s12], [sflag:$0x1] =	stream.linear.gather [hbm4b:s5+s2], $0x2000, $0x38;
	[tilespmem:$0x11E00] =	vst v63  }
0x10: {  	_ = 	snop  }
0x11: {  	[tilespmem:s13], [sflag:$0x3] =	stream.linear.gather [hbm4b:s6+s2], $0x2000, $0x38;
	[tilespmem:$0x11E00] =	vst v63  }
0x12: {  	_ = 	snop  }
0x13: {  	[tilespmem:s2], [sflag:$0x5] =	stream.linear.gather [hbm4b:s7+s2], $0x4F00, $0x38;
	[tilespmem:$0x11E00] =	vst v63  }
0x14: {  	_ =	swait.ge [sflag:s14], $0x4F00  }
0x15: {  	[sflag:s14] =	ssyncset.done $0x0  }
0x16: {  	s23 =	simm.s32 $0x40;
	s24 =	simm.s32 $0x0;
	[sflag:s14] =	ssyncadd.s32 $0xFFFFB100  }
.LBB2_2:
0x17: {  	p0 =	sne.s32 s23, $0x9DC0;
	[tilespmem:s24+$0x4F00] =	vst v0;
	s25 =	smov.u32 s23;
	s23 =	sadd.s32 $0x40, s23  }
.Ltmp0:
0x18: {  	[tilespmem:s24+$0x7680] =	vst v0;
	(pc) =	sbr.rel @p0 .LBB2_2-.Ltmp0, $2  }
0x19: {  	_ =	sdelay $0x2  }
0x1a: {  	s24 =	sshra.s32 s25, $0x2  }
0x1b: {  	[tilespmem:s24+$0x4F00] =	vst v0  }
0x1c: {  	s23 =	simm.s32 $0x0;
	[tilespmem:s24+$0x7680] =	vst v0;
	s24 =	simm.s32 $0x0  }
.LBB2_4:
0x1d: {  	s25 =	sshll.u32 s24, $0xE  }
0x1e: {  	s25 =	sadd.s32 s25, s8  }
0x1f: {  	s25 =	sshrl.u32 s25, $0x3  }
0x20: {  	s26 =	sadd.s32 s3, s25  }
0x21: {  	[tilespmem:s15], [sflag:$0x2] =	stream.linear.gather [hbm4b:s26+s23], $0x2000, $0x38;
	[tilespmem:$0x11E00] =	vst v63  }
0x22: {  	s25 =	sadd.s32 s4, s25  }
0x23: {  	[tilespmem:s16], [sflag:$0x4] =	stream.linear.gather [hbm4b:s25+s23], $0x2000, $0x38;
	[tilespmem:$0x11E00] =	vst v63  }
0x24: {  	_ =	swait.ge [sflag:s17], $0x2000  }
0x25: {  	[sflag:s17] =	ssyncset.done $0x0  }
0x26: {  	[sflag:s17] =	ssyncadd.s32 $0xFFFFE000  }
0x27: {  	_ =	swait.ge [sflag:s18], $0x2000  }
0x28: {  	[sflag:s18] =	ssyncset.done $0x0  }
0x29: {  	s31 =	simm.s32 $0x0;
	[sflag:s18] =	ssyncadd.s32 $0xFFFFE000  }
0x2a: {  	v2 =	vld [tilespmem:s31+$0x9E00]  }
0x2b: {  	v3 =	vld [tilespmem:s31+$0x9E10]  }
0x2c: {  	v4 =	vld [tilespmem:s31+$0x9E30]  }
0x2d: {  	v5 =	vld [tilespmem:s31+$0x9E20]  }
0x2e: {  	v1 =	vld [tilespmem:s31+$0xDE30]  }
0x2f: {  	v6 =	vld [tilespmem:s31+$0xDE20]  }
0x30: {  	v8 =	vld [tilespmem:s31+$0xDE00]  }
0x31: {  	v10 =	vld [tilespmem:s31+$0xDE10];
	v7 =	vadd.s32 $0x2780, v2  }
0x32: {  	v9 =	vadd.s32 $0x2780, v3;
	v11 =	vld.idx.msk [tilespmem:v2+s2+$0x0], $0xffff  }
0x33: {  	v12 =	vadd.s32 $0x2780, v5;
	v13 =	vld.idx.msk [tilespmem:v3+s2+$0x0], $0xffff  }
0x34: {  	v3 =	vadd.s32 $0x2780, v4;
	v2 =	vld.idx.msk [tilespmem:v4+s2+$0x0], $0xffff  }
0x35: {  	v5 =	vld.idx.msk [tilespmem:v5+s2+$0x0], $0xffff  }
0x36: {  	v4 =	vadd.s32 $0x2780, v8;
	v7 =	vld.idx.msk [tilespmem:v7+s2+$0x0], $0xffff  }
0x37: {  	v9 =	vld.idx.msk [tilespmem:v9+s2+$0x0], $0xffff  }
0x38: {  	v14 =	vadd.s32 $0x2780, v10;
	v12 =	vld.idx.msk [tilespmem:v12+s2+$0x0], $0xffff  }
0x39: {  	v3 =	vld.idx.msk [tilespmem:v3+s2+$0x0], $0xffff  }
0x3a: {  	v15 =	vadd.s32 $0x2780, v6;
	[tilespmem:v8+s19+$0x0] =	vst.idx.add.f32.msk $0xffff, v11  }
0x3b: {  	[tilespmem:v4+s19+$0x0] =	vst.idx.add.f32.msk $0xffff, v7  }
0x3c: {  	v4 =	vadd.s32 $0x2780, v1;
	[tilespmem:v10+s19+$0x0] =	vst.idx.add.f32.msk $0xffff, v13  }
0x3d: {  	[tilespmem:v14+s19+$0x0] =	vst.idx.add.f32.msk $0xffff, v9  }
0x3e: {  	[tilespmem:v6+s19+$0x0] =	vst.idx.add.f32.msk $0xffff, v5  }
0x3f: {  	s25 =	simm.s32 $0x100;
	[tilespmem:v15+s19+$0x0] =	vst.idx.add.f32.msk $0xffff, v12  }
.LBB2_5:
0x40: {  	s26 =	sshra.s32 s25, $0x2;
	p0 =	sne.s32 s25, $0x7F00;
	s25 =	sadd.s32 $0x100, s25;
	[tilespmem:v1+s19+$0x0] =	vst.idx.add.f32.msk $0xffff, v2  }
0x41: {  	[tilespmem:v4+s19+$0x0] =	vst.idx.add.f32.msk $0xffff, v3  }
0x42: {  	v2 =	vld [tilespmem:s26+$0x9E00]  }
0x43: {  	v3 =	vld [tilespmem:s26+$0x9E10]  }
0x44: {  	v4 =	vld [tilespmem:s26+$0x9E30]  }
0x45: {  	v5 =	vld [tilespmem:s26+$0x9E20]  }
0x46: {  	v1 =	vld [tilespmem:s26+$0xDE30]  }
0x47: {  	v6 =	vld [tilespmem:s26+$0xDE20];
	v7 =	vadd.s32 $0x2780, v2  }
0x48: {  	v8 =	vld [tilespmem:s26+$0xDE00];
	v9 =	vadd.s32 $0x2780, v3  }
0x49: {  	v10 =	vld [tilespmem:s26+$0xDE10];
	v11 =	vadd.s32 $0x2780, v4  }
0x4a: {  	v12 =	vld.idx.msk [tilespmem:v2+s2+$0x0], $0xffff;
	v13 =	vadd.s32 $0x2780, v5  }
0x4b: {  	v14 =	vld.idx.msk [tilespmem:v3+s2+$0x0], $0xffff  }
0x4c: {  	v7 =	vld.idx.msk [tilespmem:v7+s2+$0x0], $0xffff  }
0x4d: {  	v2 =	vld.idx.msk [tilespmem:v4+s2+$0x0], $0xffff;
	v4 =	vadd.s32 $0x2780, v8  }
0x4e: {  	v9 =	vld.idx.msk [tilespmem:v9+s2+$0x0], $0xffff  }
0x4f: {  	v15 =	vadd.s32 $0x2780, v10;
	v5 =	vld.idx.msk [tilespmem:v5+s2+$0x0], $0xffff  }
0x50: {  	v13 =	vld.idx.msk [tilespmem:v13+s2+$0x0], $0xffff  }
0x51: {  	v3 =	vld.idx.msk [tilespmem:v11+s2+$0x0], $0xffff;
	v11 =	vadd.s32 $0x2780, v6  }
0x52: {  	[tilespmem:v8+s19+$0x0] =	vst.idx.add.f32.msk $0xffff, v12  }
.Ltmp1:
0x53: {  	[tilespmem:v4+s19+$0x0] =	vst.idx.add.f32.msk $0xffff, v7;
	v4 =	vadd.s32 $0x2780, v1;
	(pc) =	sbr.rel @p0 .LBB2_5-.Ltmp1, $4  }
0x54: {  	[tilespmem:v10+s19+$0x0] =	vst.idx.add.f32.msk $0xffff, v14  }
0x55: {  	[tilespmem:v15+s19+$0x0] =	vst.idx.add.f32.msk $0xffff, v9  }
0x56: {  	[tilespmem:v6+s19+$0x0] =	vst.idx.add.f32.msk $0xffff, v5  }
0x57: {  	[tilespmem:v11+s19+$0x0] =	vst.idx.add.f32.msk $0xffff, v13  }
0x58: {  	s25 =	sshll.u32 s24, $0x1  }
0x59: {  	s25 =	smin.u32 s25, $0x11  }
0x5a: {  	s25 =	sshll.u32 s25, $0xD  }
0x5b: {  	s25 =	sadd.s32 s25, s9  }
0x5c: {  	[tilespmem:v1+s19+$0x0] =	vst.idx.add.f32.msk $0xffff, v2;
	s25 =	sshrl.u32 s25, $0x3  }
0x5d: {  	[tilespmem:v4+s19+$0x0] =	vst.idx.add.f32.msk $0xffff, v3;
	s26 =	sadd.s32 s3, s25  }
0x5e: {  	[tilespmem:s12], [sflag:$0x1] =	stream.linear.gather [hbm4b:s26+s28], $0x2000, $0x38;
	[tilespmem:$0x11E00] =	vst v63  }
0x5f: {  	s25 =	sadd.s32 s4, s25  }
0x60: {  	[tilespmem:s13], [sflag:$0x3] =	stream.linear.gather [hbm4b:s25+s28], $0x2000, $0x38;
	[tilespmem:$0x11E00] =	vst v63  }
0x61: {  	_ =	swait.ge [sflag:s20], $0x2000  }
0x62: {  	[sflag:s20] =	ssyncset.done $0x0  }
0x63: {  	[sflag:s20] =	ssyncadd.s32 $0xFFFFE000  }
0x64: {  	_ =	swait.ge [sflag:s21], $0x2000  }
0x65: {  	[sflag:s21] =	ssyncset.done $0x0  }
0x66: {  	s31 =	simm.s32 $0x0;
	[sflag:s21] =	ssyncadd.s32 $0xFFFFE000  }
0x67: {  	v2 =	vld [tilespmem:s31+$0xBE00]  }
0x68: {  	v3 =	vld [tilespmem:s31+$0xBE10]  }
0x69: {  	v4 =	vld [tilespmem:s31+$0xBE30]  }
0x6a: {  	v5 =	vld [tilespmem:s31+$0xBE20]  }
0x6b: {  	v1 =	vld [tilespmem:s31+$0xFE30]  }
0x6c: {  	v6 =	vld [tilespmem:s31+$0xFE20]  }
0x6d: {  	v8 =	vld [tilespmem:s31+$0xFE00]  }
0x6e: {  	v10 =	vld [tilespmem:s31+$0xFE10];
	v7 =	vadd.s32 $0x2780, v2  }
0x6f: {  	v9 =	vadd.s32 $0x2780, v3;
	v11 =	vld.idx.msk [tilespmem:v2+s2+$0x0], $0xffff  }
0x70: {  	v12 =	vadd.s32 $0x2780, v5;
	v13 =	vld.idx.msk [tilespmem:v3+s2+$0x0], $0xffff  }
0x71: {  	v3 =	vadd.s32 $0x2780, v4;
	v2 =	vld.idx.msk [tilespmem:v4+s2+$0x0], $0xffff  }
0x72: {  	v5 =	vld.idx.msk [tilespmem:v5+s2+$0x0], $0xffff  }
0x73: {  	v4 =	vadd.s32 $0x2780, v8;
	v7 =	vld.idx.msk [tilespmem:v7+s2+$0x0], $0xffff  }
0x74: {  	v9 =	vld.idx.msk [tilespmem:v9+s2+$0x0], $0xffff  }
0x75: {  	v14 =	vadd.s32 $0x2780, v10;
	v12 =	vld.idx.msk [tilespmem:v12+s2+$0x0], $0xffff  }
0x76: {  	v3 =	vld.idx.msk [tilespmem:v3+s2+$0x0], $0xffff  }
0x77: {  	v15 =	vadd.s32 $0x2780, v6;
	[tilespmem:v8+s19+$0x0] =	vst.idx.add.f32.msk $0xffff, v11  }
0x78: {  	[tilespmem:v4+s19+$0x0] =	vst.idx.add.f32.msk $0xffff, v7  }
0x79: {  	v4 =	vadd.s32 $0x2780, v1;
	[tilespmem:v10+s19+$0x0] =	vst.idx.add.f32.msk $0xffff, v13  }
0x7a: {  	[tilespmem:v14+s19+$0x0] =	vst.idx.add.f32.msk $0xffff, v9  }
0x7b: {  	[tilespmem:v6+s19+$0x0] =	vst.idx.add.f32.msk $0xffff, v5  }
0x7c: {  	s25 =	simm.s32 $0x100;
	[tilespmem:v15+s19+$0x0] =	vst.idx.add.f32.msk $0xffff, v12  }
.LBB2_7:
0x7d: {  	s26 =	sshra.s32 s25, $0x2;
	p0 =	sne.s32 s25, $0x7F00;
	s25 =	sadd.s32 $0x100, s25;
	[tilespmem:v1+s19+$0x0] =	vst.idx.add.f32.msk $0xffff, v2  }
0x7e: {  	[tilespmem:v4+s19+$0x0] =	vst.idx.add.f32.msk $0xffff, v3  }
0x7f: {  	v2 =	vld [tilespmem:s26+$0xBE00]  }
0x80: {  	v3 =	vld [tilespmem:s26+$0xBE10]  }
0x81: {  	v4 =	vld [tilespmem:s26+$0xBE30]  }
0x82: {  	v5 =	vld [tilespmem:s26+$0xBE20]  }
0x83: {  	v1 =	vld [tilespmem:s26+$0xFE30]  }
0x84: {  	v6 =	vld [tilespmem:s26+$0xFE20];
	v7 =	vadd.s32 $0x2780, v2  }
0x85: {  	v8 =	vld [tilespmem:s26+$0xFE00];
	v9 =	vadd.s32 $0x2780, v3  }
0x86: {  	v10 =	vld [tilespmem:s26+$0xFE10];
	v11 =	vadd.s32 $0x2780, v4  }
0x87: {  	v12 =	vld.idx.msk [tilespmem:v2+s2+$0x0], $0xffff;
	v13 =	vadd.s32 $0x2780, v5  }
0x88: {  	v14 =	vld.idx.msk [tilespmem:v3+s2+$0x0], $0xffff  }
0x89: {  	v7 =	vld.idx.msk [tilespmem:v7+s2+$0x0], $0xffff  }
0x8a: {  	v2 =	vld.idx.msk [tilespmem:v4+s2+$0x0], $0xffff;
	v4 =	vadd.s32 $0x2780, v8  }
0x8b: {  	v9 =	vld.idx.msk [tilespmem:v9+s2+$0x0], $0xffff  }
0x8c: {  	v15 =	vadd.s32 $0x2780, v10;
	v5 =	vld.idx.msk [tilespmem:v5+s2+$0x0], $0xffff  }
0x8d: {  	v13 =	vld.idx.msk [tilespmem:v13+s2+$0x0], $0xffff  }
0x8e: {  	v3 =	vld.idx.msk [tilespmem:v11+s2+$0x0], $0xffff;
	v11 =	vadd.s32 $0x2780, v6  }
0x8f: {  	[tilespmem:v8+s19+$0x0] =	vst.idx.add.f32.msk $0xffff, v12  }
.Ltmp2:
0x90: {  	[tilespmem:v4+s19+$0x0] =	vst.idx.add.f32.msk $0xffff, v7;
	v4 =	vadd.s32 $0x2780, v1;
	(pc) =	sbr.rel @p0 .LBB2_7-.Ltmp2, $4  }
0x91: {  	[tilespmem:v10+s19+$0x0] =	vst.idx.add.f32.msk $0xffff, v14  }
0x92: {  	[tilespmem:v15+s19+$0x0] =	vst.idx.add.f32.msk $0xffff, v9  }
0x93: {  	[tilespmem:v6+s19+$0x0] =	vst.idx.add.f32.msk $0xffff, v5  }
0x94: {  	[tilespmem:v11+s19+$0x0] =	vst.idx.add.f32.msk $0xffff, v13  }
0x95: {  	s24 =	sadd.s32 $0x1, s24  }
0x96: {  	p0 =	sne.s32 s24, $0xA  }
.Ltmp3:
0x97: {  	_ = 	snop;
	(pc) =	sbr.rel @p0 .LBB2_4-.Ltmp3, $3  }
0x98: {  	_ =	sdelay $0x1  }
0x99: {  	[tilespmem:v1+s19+$0x0] =	vst.idx.add.f32.msk $0xffff, v2  }
0x9a: {  	[tilespmem:v4+s19+$0x0] =	vst.idx.add.f32.msk $0xffff, v3  }
0x9b: {  	_ =	swait.ge [sflag:s17], $0x2000  }
0x9c: {  	[sflag:s17] =	ssyncset.done $0x0  }
0x9d: {  	[sflag:s17] =	ssyncadd.s32 $0xFFFFE000  }
0x9e: {  	s22 =	sadd.s32 $0x1, s22;
	_ =	swait.ge [sflag:s18], $0x2000  }
0x9f: {  	p0 =	sne.s32 s22, s11;
	[sflag:s18] =	ssyncset.done $0x0  }
.Ltmp4:
0xa0: {  	[sflag:s18] =	ssyncadd.s32 $0xFFFFE000;
	(pc) =	sbr.rel @p0 .LBB2_1-.Ltmp4, $4  }
0xa1: {  	[hbm4b:s10+s2] =	stream.linear.scatter [tilespmem:s19], [sflag:$0x5], $0x4F00, $0x38;
	[tilespmem:$0x11E00] =	vst v63  }
0xa2: {  	_ =	swait.ge [sflag:s14], $0x4F00  }
0xa3: {  	[sflag:s14] =	ssyncset.done $0x0  }
0xa4: {  	[sflag:s14] =	ssyncadd.s32 $0xFFFFB100  }
0xa5: {  	_ =	sfence.sel $0x180000  }
0xa6: {  	[bflag:$0x0] =	sbarrier.arrive $0xFFFF  }
0xa7: {  	p0 =	sne.s32 s0, $0x0;
	_ =	strace $0x9000004D  }
0xa8: {  	s0 =	sadd.s32 @!p0 $0x100000, s1;
	[bflag:$0x2] =	sbarrier.arrive $0xFFFF  }
0xa9: {  	[sflag:s0] =	ssyncadd.tile.s32 @!p0 $0x1;
	_ =	shalt  }
.Lfunc_end2:
_tile_overlayer_lowered:
.L_overlay_start_2:
0xaa: {  	(tag) =	ssettag $0x2  }
0xab: {  	s0 =	rddreg [dreg:$0x0];
	s2 =	stileid.u32  }
0xac: {  	s1 =	rddreg [dreg:$0x1];
	p0 =	sne.s32 s2, $0x0  }
0xad: {  	s3 =	rddreg [dreg:$0x2];
	[bflag:$0x3] =	sbarrier.arrive $0xFFFF;
	s2 =	simm.s32 @!p0 $0x1C05  }
0xae: {  	[timem:s3], [sflag:s2] =	dma.local @!p0 [hbm:s0], s1  }
0xaf: {  	s0 =	simm.s32 @!p0 $0x5  }
0xb0: {  	_ =	swait.ge @!p0 [sflag:s0], s1  }
0xb1: {  	s1 =	ssub.s32 @!p0 $0x0, s1;
	[sflag:s0] =	ssyncset.done @!p0 $0x0  }
0xb2: {  	[sflag:s0] =	ssyncadd.s32 @!p0 s1  }
0xb3: {  	[bflag:$0x3] =	sbarrier.arrive $0xFFFF  }
0xb4: {  	_ =	shalt  }

// kernel: kernel.8.cloned.1.call-start
scs
__scs_entry_jumppad:
0x0: {  	(pc) =	sbr.rel $0x88, $3  }
0x1: {  	(tag) =	ssettag $0x0;
	lr =	simm.s32 $0x1  }
0x2: {  	[smem:$0x3F97] =	sst lr;
	_ =	strace $0xD0000000  }
0x3: {  	_ = 	snop  }
0x4: {  	_ = 	snop  }
0x5: {  	_ = 	snop  }
0x6: {  	_ = 	snop  }
0x7: {  	_ = 	snop  }
__scs_overlays_trampoline_lowered:
0x8: {  	[smem:$0x3FA6] =	sst s0  }
0x9: {  	[smem:$0x3FA7] =	sst s1  }
0xa: {  	[smem:$0x3FA8] =	sst s2  }
0xb: {  	[smem:$0x3FA9] =	sst s3  }
0xc: {  	[smem:$0x3FAA] =	sst s4  }
0xd: {  	[smem:$0x3FAB] =	sst s5  }
0xe: {  	[smem:$0x3FAC] =	sst s6  }
0xf: {  	[smem:$0x3FAD] =	sst s7  }
0x10: {  	[smem:$0x3FAE] =	sst s8  }
0x11: {  	[smem:$0x3FAF] =	sst s9;
	s0 =	simm.s32 @!p0 $0x0  }
0x12: {  	s1 =	sld [smem:$0x3F95];
	s0 =	simm.s32 @p0 $0x1  }
0x13: {  	[smem:$0x3FB0] =	sst s0;
	s0 =	simm.s32 @!p1 $0x0  }
0x14: {  	s2 =	sld [smem:$0x3F94];
	s0 =	simm.s32 @p1 $0x1  }
0x15: {  	[smem:$0x3FB1] =	sst s0;
	s0 =	simm.s32 @!p2 $0x0  }
0x16: {  	s3 =	sld [smem:$0x3FDB];
	s0 =	simm.s32 @p2 $0x1  }
0x17: {  	s4 =	simm.s32 $0x1BF5;
	[smem:$0x3FB3] =	sst s0  }
0x18: {  	s0 =	sld [smem:$0x3F96];
	_ =	swait.ge [sflag:s4], $0x0  }
0x19: {  	s7 =	sld [smem:$0x3F97]  }
0x1a: {  	s8 =	sadd.s32 $0xFFFFE003, lr  }
0x1b: {  	s9 =	sadd.s32 $0xFFFFFEF7, lr;
	s5 =	simm.s32 $0xFFFFFFFF;
	p2 =	slt.u32 s8, $0xFFFFF086  }
0x1c: {  	p1 =	slt.u32 s9, $0xF7A;
	s5 =	simm.s32 @!p2 $0x0  }
0x1d: {  	s5 =	simm.s32 @p1 $0x1;
	p0 =	seq.s32 s7, s2  }
0x1e: {  	s7 =	smul.u32 @!p0 $0xF7A, s2;
	p2 =	seq.s32 @!p0 s5, $0x0  }
0x1f: {  	s9 =	smul.u32 $0xF7A, s1;
	s8 =	simm.s32 @!p0 $0x1BF5;
	p2 =	por !p2, p0  }
0x20: {  	[sflag:s8] =	ssyncset.s32 @!p0 $0xFFFFF086;
	s6 =	sadd.s32 @!p0 s3, s7;
	s7 =	simm.s32 @!p0 $0x108  }
0x21: {  	s3 =	sadd.s32 s3, s9;
	s6 =	sadd.s32 @!p0 $0x88, s6;
	s7 =	simm.s32 @p2 $0x1082  }
0x22: {  	[simem:s7], [sflag:s8] =	dma.local @!p0 [hbm:s6], $0xF7A  }
0x23: {  	s9 =	sor.u32 $0xD0000000, s2;
	s6 =	simm.s32 $0x108;
	_ =	swait.ge @!p0 [sflag:s8], $0x0  }
0x24: {  	s3 =	sadd.s32 $0x88, s3;
	s6 =	simm.s32 @!p1 $0x1082;
	[sflag:s4] =	ssyncset.s32 $0xFFFFF086  }
0x25: {  	[simem:s6], [sflag:s4] =	dma.local [hbm:s3], $0xF7A  }
0x26: {  	[smem:$0x3F97] =	sst s1;
	(tag) =	ssettag s2;
	_ =	strace s9  }
0x27: {  	s1 =	sld [smem:$0x3FA7]  }
0x28: {  	s2 =	sld [smem:$0x3FA8]  }
0x29: {  	s4 =	sld [smem:$0x3FAA]  }
0x2a: {  	p0 =	seq.s32 s5, $0x0;
	s5 =	sld [smem:$0x3FAB]  }
0x2b: {  	s6 =	sld [smem:$0x3FAC]  }
0x2c: {  	s7 =	sld [smem:$0x3FAD]  }
0x2d: {  	s3 =	simm.s32 $0x108;
	s8 =	sld [smem:$0x3FAE]  }
0x2e: {  	s3 =	simm.s32 @!p0 $0x1082;
	s9 =	sld [smem:$0x3FAF]  }
0x2f: {  	lr =	sadd.s32 s0, s3;
	s0 =	sld [smem:$0x3FA6]  }
0x30: {  	s3 =	sld [smem:$0x3FA9]  }
0x31: {  	[smem:$0x3FB2] =	sst s10  }
0x32: {  	s10 =	sld [smem:$0x3FB0];
	_ =	sdelay $0x3  }
0x33: {  	p0 =	seq.s32 s10, $0x1;
	s10 =	sld [smem:$0x3FB2];
	_ =	sdelay $0x3  }
0x34: {  	[smem:$0x3FB2] =	sst s10  }
0x35: {  	s10 =	sld [smem:$0x3FB1];
	_ =	sdelay $0x3  }
0x36: {  	p1 =	seq.s32 s10, $0x1;
	s10 =	sld [smem:$0x3FB2];
	_ =	sdelay $0x3  }
0x37: {  	[smem:$0x3FB2] =	sst s10  }
0x38: {  	s10 =	sld [smem:$0x3FB3]  }
0x39: {  	_ = 	snop;
	(pc) =	sbr.ind lr, $3  }
0x3a: {  	_ = 	snop  }
0x3b: {  	_ = 	snop  }
0x3c: {  	p2 =	seq.s32 s10, $0x1;
	s10 =	sld [smem:$0x3FB2]  }
0x3d: {  	_ =	shalt  }
0x3e: {  	_ =	shalt  }
0x3f: {  	_ =	shalt  }
0x40: {  	_ =	shalt  }
0x41: {  	_ =	shalt  }
0x42: {  	_ =	shalt  }
0x43: {  	_ =	shalt  }
0x44: {  	_ =	shalt  }
0x45: {  	_ =	shalt  }
0x46: {  	_ =	shalt  }
0x47: {  	_ =	shalt  }
0x48: {  	_ =	shalt  }
0x49: {  	_ =	shalt  }
0x4a: {  	_ =	shalt  }
0x4b: {  	_ =	shalt  }
0x4c: {  	_ =	shalt  }
0x4d: {  	_ =	shalt  }
0x4e: {  	_ =	shalt  }
0x4f: {  	_ =	shalt  }
0x50: {  	_ =	shalt  }
0x51: {  	_ =	shalt  }
0x52: {  	_ =	shalt  }
0x53: {  	_ =	shalt  }
0x54: {  	_ =	shalt  }
0x55: {  	_ =	shalt  }
0x56: {  	_ =	shalt  }
0x57: {  	_ =	shalt  }
0x58: {  	_ =	shalt  }
0x59: {  	_ =	shalt  }
0x5a: {  	_ =	shalt  }
0x5b: {  	_ =	shalt  }
0x5c: {  	_ =	shalt  }
0x5d: {  	_ =	shalt  }
0x5e: {  	_ =	shalt  }
0x5f: {  	_ =	shalt  }
0x60: {  	_ =	shalt  }
0x61: {  	_ =	shalt  }
0x62: {  	_ =	shalt  }
0x63: {  	_ =	shalt  }
0x64: {  	_ =	shalt  }
0x65: {  	_ =	shalt  }
0x66: {  	_ =	shalt  }
0x67: {  	_ =	shalt  }
0x68: {  	_ =	shalt  }
0x69: {  	_ =	shalt  }
0x6a: {  	_ =	shalt  }
0x6b: {  	_ =	shalt  }
0x6c: {  	_ =	shalt  }
0x6d: {  	_ =	shalt  }
0x6e: {  	_ =	shalt  }
0x6f: {  	_ =	shalt  }
0x70: {  	_ =	shalt  }
0x71: {  	_ =	shalt  }
0x72: {  	_ =	shalt  }
0x73: {  	_ =	shalt  }
0x74: {  	_ =	shalt  }
0x75: {  	_ =	shalt  }
0x76: {  	_ =	shalt  }
0x77: {  	_ =	shalt  }
0x78: {  	_ =	shalt  }
0x79: {  	_ =	shalt  }
0x7a: {  	_ =	shalt  }
0x7b: {  	_ =	shalt  }
0x7c: {  	_ =	shalt  }
0x7d: {  	_ =	shalt  }
0x7e: {  	_ =	shalt  }
0x7f: {  	_ =	shalt  }
0x80: {  	_ =	shalt  }
0x81: {  	_ =	shalt  }
0x82: {  	_ =	shalt  }
0x83: {  	_ =	shalt  }
0x84: {  	_ =	shalt  }
0x85: {  	_ =	shalt  }
0x86: {  	_ =	shalt  }
0x87: {  	_ =	shalt  }
.Lfunc_end0:
.L_simem_size_0:
called_computation_lowered:
.L_overlay_start_0:
0x88: {  	s2 =	sld [smem:$0x3FD9]  }
0x89: {  	s3 =	sld [smem:$0x3FFE];
	_ =	sdelay $0x1  }
0x8a: {  	s1 =	srdreg.scid  }
0x8b: {  	s0 =	sand.u32 $0x1, s1  }
0x8c: {  	s17 =	sshll.u32 s0, $0xA;
	s2 =	sadd.s32 s3, s2  }
0x8d: {  	s2 =	sadd.s32 s2, s17  }
0x8e: {  	[smem:$0x3FBE] =	sst s2  }
0x8f: {  	_ = 	snop  }
0x90: {  	(tm) =	ssettm $0x1  }
0x91: {  	s18 =	sld [smem:$0x3FFB];
	_ =	sdelay $0x3  }
0x92: {  	_ =	strace s18  }
0x93: {  	s2 =	sld [smem:$0x3FFC];
	_ =	sdelay $0x3  }
0x94: {  	_ =	strace s2  }
0x95: {  	s2 =	sld [smem:$0x3FFD];
	_ =	sdelay $0x3  }
0x96: {  	_ =	strace s2  }
0x97: {  	_ =	strace $0x8FFFFFFF  }
0x98: {  	s19 =	sld [smem:$0x3FDB];
	_ =	sdelay $0x1  }
0x99: {  	s20 =	simm.s32 $_scs_section_size  }
0x9a: {  	s4 =	simm.s32 $_size__tile_overlayer_lowered;
	s5 =	simm.s32 $_tile_overlayer_lowered  }
0x9b: {  	s6 =	simm.s32 $0x1BFF;
	s21 =	sshll.u32 s5, $0x1;
	s3 =	sadd.s32 s20, s19  }
0x9c: {  	s22 =	simm.s32 $0x0;
	s4 =	sshll.u32 s4, $0x1;
	s5 =	sadd.s32 s21, s3  }
0x9d: {  	[timem:s22], [sflag:s6] =	dma.local [hbm:s5], s4  }
0x9e: {  	_ =	swait.ge [sflag:s6], s4  }
0x9f: {  	s4 =	ssub.s32 $0x0, s4;
	[sflag:s6] =	ssyncset.done $0x0  }
0xa0: {  	[sflag:s6] =	ssyncadd.s32 s4;
	_ =	sdelay $0x1  }
0xa1: {  	s23 =	simm.s32 $0x1B8B  }
0xa2: {  	_ =	swait.ge [sflag:s23], $0x1  }
0xa3: {  	[sflag:s23] =	ssyncset.done $0x0  }
0xa4: {  	[sflag:s23] =	ssyncadd.s32 $0xFFFFFFFF  }
0xa5: {  	s4 =	sld [smem:$0x0]  }
0xa6: {  	s5 =	sand.u32 $0xFFFFFFFE, s1  }
0xa7: {  	p0 =	sne.s32 s1, s5  }
0xa8: {  	s5 =	sshll.u32 @p0 s5, $0xE  }
0xa9: {  	s5 =	sadd.s32 @p0 $0x11B8D, s5;
	s6 =	sshll.u32 @p0 s4, $0x11  }
0xaa: {  	s5 =	sor.u32 @p0 s6, s5  }
0xab: {  	[sflag:s5] =	ssyncadd.remote.s32 @p0 $0x1;
	_ =	sdelay $0x1  }
0xac: {  	s5 =	simm.s32 @p0 $0x1B8D  }
0xad: {  	_ =	swait.eq @p0 [sflag:s5], $0x1  }
0xae: {  	[sflag:s5] =	ssyncadd.s32 @p0 $0xFFFFFFFF  }
0xaf: {  	s6 =	sshll.u32 @!p0 s1, $0xE  }
0xb0: {  	s6 =	sor.u32 @!p0 $0x4000, s6;
	s5 =	simm.s32 @!p0 $0x1B8D  }
0xb1: {  	s4 =	sshll.u32 @!p0 s4, $0x11;
	s6 =	sadd.s32 @!p0 $0x11B8D, s6;
	_ =	swait.eq @!p0 [sflag:s5], $0x1  }
0xb2: {  	s4 =	sor.u32 @!p0 s4, s6;
	[sflag:s5] =	ssyncadd.s32 @!p0 $0xFFFFFFFF  }
0xb3: {  	s25 =	simm.s32 $0x1B8E;
	s24 =	sld [smem:$0x3FFE];
	[sflag:s4] =	ssyncadd.remote.s32 @!p0 $0x1  }
0xb4: {  	s26 =	simm.s32 $execute0_lowered;
	[smem:$0x3FD2] =	sst s25  }
0xb5: {  	s5 =	sshll.u32 s26, $0x1;
	_ =	strace $0x80000049;
	[dreg:$0x1] =	wrdreg $0xFFFFFFFF  }
0xb6: {  	s28 =	simm.s32 $_size_execute0_lowered;
	s3 =	sadd.s32 s3, s5;
	[dreg:$0x0] =	wrdreg $0x0  }
0xb7: {  	s5 =	sshll.u32 s28, $0x1;
	[dreg:$0x2] =	wrdreg s3  }
0xb8: {  	[dreg:$0x3] =	wrdreg s5  }
0xb9: {  	[dreg:$0x4] =	wrdreg $0xC0  }
0xba: {  	_ =	task [dreg:s22], $0x5FFFF  }
0xbb: {  	[dreg:$0x1] =	wrdreg $0xFFFFFFFF  }
0xbc: {  	[dreg:$0x0] =	wrdreg $0x60  }
0xbd: {  	[dreg:$0x2] =	wrdreg s24  }
0xbe: {  	[dreg:$0x3] =	wrdreg $0x9  }
0xbf: {  	_ =	task.clear_ibuf [dreg:s22], $0x4FFFF;
	_ =	strace $0x90000049  }
0xc0: {  	s29 =	simm.s32 $0x9;
	_ =	strace $0x8000004B  }
0xc1: {  	_ =	swait.ge [sflag:s29], $0x1  }
0xc2: {  	[sflag:s29] =	ssyncadd.s32 $0xFFFFFFFF  }
0xc3: {  	_ =	strace $0x9000004B  }
0xc4: {  	_ =	sfence  }
0xc5: {  	s30 =	sld [smem:$0x0];
	_ =	sdelay $0x2  }
0xc6: {  	s31 =	sshll.u32 s1, $0xD;
	s1 =	sshrl.u32 s1, $0x2  }
0xc7: {  	s4 =	sand.u32 $0x4000, s31;
	s1 =	sadd.s32 s1, s30  }
0xc8: {  	s0 =	sor.u32 s4, s0;
	s1 =	sshll.u32 s1, $0x11  }
0xc9: {  	s0 =	sor.u32 s1, s0  }
0xca: {  	s0 =	sadd.s32 $0x8F2B, s0  }
0xcb: {  	[sflag:s0] =	ssyncadd.remote.s32 $0x1  }
0xcc: {  	_ =	sfence.sel $0xFFFF  }
0xcd: {  	[dreg:$0x0] =	wrdreg $0xFFFFFFFF;
	(pc) =	sbr.abs _section_cstart, $3  }
0xce: {  	[dreg:$0x1] =	wrdreg $0xFFFFFFFF  }
0xcf: {  	_ =	task.clear_ibuf [dreg:s22], $0x2FFFF;
	_ =	strace $0x9FFFFFFF  }
0xd0: {  	(tm) =	ssettm $0x7FFFFFFF  }
0xd1: {  	_ =	shalt  }
tec
execute0_lowered:
.L_overlay_start_1:
0x0: {  	(tag) =	ssettag $0x1  }
0x1: {  	s0 =	srdreg.scid  }
0x2: {  	s3 =	sand.u32 $0x1, s0  }
0x3: {  	s4 =	rddreg [dreg:$0x0];
	s0 =	stileid.u32;
	s1 =	sshll.u32 s3, $0x4  }
0x4: {  	s2 =	simm.s32 $0x0;
	s8 =	simm.s32 $0x0;
	s5 =	sor.u32 s0, s1  }
0x5: {  	[smem:$0x7FF] =	sst s2;
	s3 =	ssub.s32 $0x2, s3;
	s6 =	smul.u32 $0x500, s5  }
0x6: {  	s1 =	rddreg [dreg:$0x1];
	s7 =	sshrl.u32 s3, $0x1;
	s5 =	smul.u32 $0x4F0, s5  }
0x7: {  	_ =	strace $0x8000004A;
	s31 =	ssub.s32 s3, s7;
	s7 =	simm.s32 $0x1  }
0x8: {  	s6 =	sadd.s32 s6, s4;
	s4 =	sadd.s32 s5, s4;
	s5 =	smax.u32 s31, $0x1  }
0x9: {  	v0 =	vimm.f32 $0.0e+00;
	v1 =	vimm.f32 $1.000000000e+00;
	s3 =	sadd.s32 $0x1A00, s6;
	s4 =	sadd.s32 $0x50E00, s4;
	s6 =	simm.s32 $0x2780  }
.LBB2_1:
0xa: {  	[tilespmem:s6], [sflag:$0x1] =	stream.linear.gather [hbm4b:s3+s2], $0x2800, $0x38;
	[tilespmem:$0x4F80] =	vst v63  }
0xb: {  	_ =	swait.ge [sflag:s7], $0x2800  }
0xc: {  	[sflag:s7] =	ssyncset.done $0x0  }
0xd: {  	s9 =	simm.s32 $0x0;
	[sflag:s7] =	ssyncadd.s32 $0xFFFFD800  }
.LBB2_2:
0xe: {  	p0 =	sne.s32 s9, $0x9DC0  }
.Ltmp0:
0xf: {  	_ = 	snop;
	(pc) =	sbr.rel @p0 .LBB2_2-.Ltmp0, $3  }
0x10: {  	_ =	sdelay $0x1  }
0x11: {  	s10 =	sshra.s32 s9, $0x2  }
0x12: {  	s9 =	sadd.s32 $0x40, s9;
	[tilespmem:s10+$0x0] =	vst v0  }
0x13: {  	s9 =	simm.s32 $0x0  }
.LBB2_4:
0x14: {  	s10 =	sshra.s32 s9, $0x2  }
0x15: {  	v2 =	vld [tilespmem:s10+$0x2780];
	_ =	sdelay $0x7  }
0x16: {  	[tilespmem:v2+s2+$0x0] =	vst.idx.add.f32.msk $0xffff, v1  }
0x17: {  	v2 =	vld [tilespmem:s10+$0x2790];
	_ =	sdelay $0x7  }
0x18: {  	[tilespmem:v2+s2+$0x0] =	vst.idx.add.f32.msk $0xffff, v1  }
0x19: {  	v2 =	vld [tilespmem:s10+$0x27A0];
	_ =	sdelay $0x7  }
0x1a: {  	[tilespmem:v2+s2+$0x0] =	vst.idx.add.f32.msk $0xffff, v1  }
0x1b: {  	v2 =	vld [tilespmem:s10+$0x27B0];
	_ =	sdelay $0x2  }
0x1c: {  	p0 =	sne.s32 s9, $0x9F00  }
.Ltmp1:
0x1d: {  	_ = 	snop;
	(pc) =	sbr.rel @p0 .LBB2_4-.Ltmp1, $2  }
0x1e: {  	_ =	sdelay $0x2  }
0x1f: {  	s9 =	sadd.s32 $0x100, s9;
	[tilespmem:v2+s2+$0x0] =	vst.idx.add.f32.msk $0xffff, v1  }
0x20: {  	s8 =	sadd.s32 $0x1, s8  }
0x21: {  	p0 =	sne.s32 s8, s5  }
.Ltmp2:
0x22: {  	_ = 	snop;
	(pc) =	sbr.rel @p0 .LBB2_1-.Ltmp2, $4  }
0x23: {  	[hbm4b:s4+s2] =	stream.linear.scatter [tilespmem:s2], [sflag:$0x1], $0x2780, $0x38;
	[tilespmem:$0x4F80] =	vst v63  }
0x24: {  	_ =	swait.ge [sflag:s7], $0x2780  }
0x25: {  	[sflag:s7] =	ssyncset.done $0x0  }
0x26: {  	[sflag:s7] =	ssyncadd.s32 $0xFFFFD880  }
0x27: {  	_ =	sfence.sel $0x180000  }
0x28: {  	[bflag:$0x0] =	sbarrier.arrive $0xFFFF  }
0x29: {  	p0 =	sne.s32 s0, $0x0;
	_ =	strace $0x9000004A  }
0x2a: {  	s0 =	sadd.s32 @!p0 $0x100000, s1;
	[bflag:$0x2] =	sbarrier.arrive $0xFFFF  }
0x2b: {  	[sflag:s0] =	ssyncadd.tile.s32 @!p0 $0x1;
	_ =	shalt  }
.Lfunc_end2:
_tile_overlayer_lowered:
.L_overlay_start_2:
0x2c: {  	(tag) =	ssettag $0x2  }
0x2d: {  	s0 =	rddreg [dreg:$0x0];
	s2 =	stileid.u32  }
0x2e: {  	s1 =	rddreg [dreg:$0x1];
	p0 =	sne.s32 s2, $0x0  }
0x2f: {  	s3 =	rddreg [dreg:$0x2];
	[bflag:$0x3] =	sbarrier.arrive $0xFFFF;
	s2 =	simm.s32 @!p0 $0x1C01  }
0x30: {  	[timem:s3], [sflag:s2] =	dma.local @!p0 [hbm:s0], s1  }
0x31: {  	s0 =	simm.s32 @!p0 $0x1  }
0x32: {  	_ =	swait.ge @!p0 [sflag:s0], s1  }
0x33: {  	s1 =	ssub.s32 @!p0 $0x0, s1;
	[sflag:s0] =	ssyncset.done @!p0 $0x0  }
0x34: {  	[sflag:s0] =	ssyncadd.s32 @!p0 s1  }
0x35: {  	[bflag:$0x3] =	sbarrier.arrive $0xFFFF  }
0x36: {  	_ =	shalt  }

</sc_bundles>
